<compile_context>
chip_gen: v7x
topology: tpu7x:2x2x1
jax: 0.10.2.dev20260603
libtpu: 0.0.44.dev20260713+nightly
codegen_flags: <defaults>
</compile_context>

<pallas_src>
import jax
import jax.numpy as jnp
from jax import lax
from jax.experimental import pallas as pl
from jax.experimental.pallas import tpu as pltpu
from jax.experimental.pallas import tpu_sc as plsc

B, C_IN, H, W = 16, 10, 512, 512
C_COS = 8
NW = 32
R = 8
CW = 256
TR_PER_W = H // R // NW
CPB = TR_PER_W * (W // CW)
CHUNKS = B * CPB
L = 16
STEPS = R * CW // L


def _body(x_hbm, out_hbm, in_v, out_v, sin, sout):
    cid = lax.axis_index("c")
    sid = lax.axis_index("s")
    wid = sid * 2 + cid

    def chunk_coords(t):
        b = t // CPB
        q = t % CPB
        r0 = (wid * TR_PER_W + q // (W // CW)) * R
        c0 = (q % (W // CW)) * CW
        return b, r0, c0

    def start_in(t, s):
        b, r0, c0 = chunk_coords(t)
        pltpu.make_async_copy(
            x_hbm.at[b, :, pl.ds(r0, R), pl.ds(c0, CW)],
            in_v.at[s], sin.at[s]).start()

    def wait_in(s):
        pltpu.make_async_copy(
            x_hbm.at[0, :, pl.ds(0, R), pl.ds(0, CW)],
            in_v.at[s], sin.at[s]).wait()

    def start_out(t, s):
        b, r0, c0 = chunk_coords(t)
        pltpu.make_async_copy(
            out_v.at[s], out_hbm.at[b, :, pl.ds(r0, R), pl.ds(c0, CW)],
            sout.at[s]).start()

    def wait_out(s):
        pltpu.make_async_copy(
            out_v.at[s], out_hbm.at[0, :, pl.ds(0, R), pl.ds(0, CW)],
            sout.at[s]).wait()

    zero = jnp.zeros((L,), jnp.float32)

    def compute(s, so):
        @plsc.parallel_loop(0, STEPS, unroll=2)
        def step(i):
            r = i >> 4
            sl = pl.ds((i & 15) * L, L)
            vals = [in_v[s, c, r, sl] for c in range(C_COS)]
            idxs = [jnp.full((L,), c, jnp.int32) for c in range(C_COS)]
            while len(vals) > 1:
                nv, ni = [], []
                for k in range(0, len(vals), 2):
                    gt = vals[k + 1] > vals[k]
                    nv.append(jnp.where(gt, vals[k + 1], vals[k]))
                    ni.append(jnp.where(gt, idxs[k + 1], idxs[k]))
                vals, idxs = nv, ni
            idx = idxs[0]
            g0 = in_v[s, 8, r, sl]
            g1 = in_v[s, 9, r, sl]
            sq = g0 * g0 + g1 * g1
            sc = jnp.maximum(sq, jnp.float32(1e-30))
            yi = jnp.int32(0x5F3759DF) - (
                lax.bitcast_convert_type(sc, jnp.int32) >> 1)
            y = lax.bitcast_convert_type(yi, jnp.float32)
            half = jnp.float32(0.5) * sc
            for _ in range(1):
                y = y * (jnp.float32(1.5) - half * y * y)
            mag = sq * y
            for c in range(C_COS):
                out_v[so, c, r, sl] = jnp.where(idx == c, mag, zero)

    start_in(0, 0)
    start_in(1, 1)

    def outer(g, carry):
        for b2 in range(4):
            t = g * 4 + b2
            s = b2
            so = b2 & 1

            @pl.when(t + 2 < CHUNKS)
            def _():
                start_in(t + 2, (s + 2) & 3)

            wait_in(s)

            @pl.when(t >= 2)
            def _():
                wait_out(so)

            start_out(t, so)
        return carry

    lax.fori_loop(0, CHUNKS // 4, outer, 0)
    wait_out(0)
    wait_out(1)


def kernel(x):
    mesh = plsc.VectorSubcoreMesh(core_axis_name="c", subcore_axis_name="s")
    return pl.kernel(
        _body,
        mesh=mesh,
        out_type=jax.ShapeDtypeStruct((B, C_COS, H, W), jnp.float32),
        scratch_types=[
            pltpu.VMEM((4, C_IN, R, CW), jnp.float32),
            pltpu.VMEM((2, C_COS, R, CW), jnp.float32),
            pltpu.SemaphoreType.DMA((4,)),
            pltpu.SemaphoreType.DMA((2,)),
        ],
    )(x)

# --- scband reference (transcript-rebuilt; emitter-appended) ---
"""Pipeline reference for scband-histogram-layer-2267742733141 (READ-ONLY COPY).

The authoritative reference and input builder live on the scoring server;
editing this copy changes nothing except your own understanding.
"""

import jax, jax.numpy as jnp
import numpy as np


def setup_inputs(seed: int = 0) -> dict:
    key = jax.random.key(seed)
    x = jax.random.normal(key, (16, 10, 512, 512), dtype=jnp.float32)
    return {"x": x}


def reference(x):
    cosines = x[:, :8, :, :]
    im_grads = x[:, 8:, :, :]
    max_idx = jnp.argmax(cosines, axis=1)
    magnitudes = jnp.linalg.norm(im_grads, axis=1)
    B, C, H, W = cosines.shape
    bi = jnp.arange(B)[:, None, None]
    hi = jnp.arange(H)[None, :, None]
    wi = jnp.arange(W)[None, None, :]
    per_px_histogram = jnp.zeros_like(cosines).at[bi, max_idx, hi, wi].set(magnitudes)
    return per_px_histogram

if __name__ == "__main__":
    import jax
    _d = setup_inputs()
    print(jax.jit(kernel)(*tuple(_d.values())))

</pallas_src>

<mosaic_0001>
#map = affine_map<(d0, d1) -> (0, 0, 0, 0)>
module attributes {stable_mosaic.version = 14 : i64} {
  func.func @_body(%arg0: i32, %arg1: i32, %arg2: memref<16x10x512x512xf32, #tpu.memory_space<hbm>>, %arg3: memref<16x8x512x512xf32, #tpu.memory_space<hbm>>, %arg4: memref<4x10x8x256xf32, #tpu.memory_space<vmem>>, %arg5: memref<2x8x8x256xf32, #tpu.memory_space<vmem>>, %arg6: memref<4x!tpu.dma_semaphore, #tpu.memory_space<semaphore_mem>>, %arg7: memref<2x!tpu.dma_semaphore, #tpu.memory_space<semaphore_mem>>) attributes {dimension_semantics = [#tpu.dimension_semantics<core_parallel>, #tpu.dimension_semantics<subcore_parallel>], iteration_bounds = array<i64: 2, 16>, scalar_prefetch = 0 : i64, scratch_operands = 4 : i64, tpu.core_type = #tpu.core_type<sc_vector_subcore>, window_params = [{transform_indices = #map}, {transform_indices = #map}]} {
    %mul3A = arith.constant 2 : i32
    %mul3A_0 = arith.muli %arg1, %mul3A : i32
    %add3A = arith.addi %mul3A_0, %arg0 : i32
    %broadcast_in_dim3A = arith.constant 0.000000e+00 : f32
    %broadcast_in_dim3A_1 = vector.broadcast %broadcast_in_dim3A : f32 to vector<16xf32>
    %mul3A_2 = arith.constant 2 : i32
    %mul3A_3 = arith.muli %add3A, %mul3A_2 : i32
    %add3A_4 = arith.constant 0 : i32
    %add3A_5 = arith.addi %mul3A_3, %add3A_4 : i32
    %mul3A_6 = arith.constant 8 : i32
    %mul3A_7 = arith.muli %add3A_5, %mul3A_6 : i32
    %dma_start3A = arith.constant 0 : i32
    %dma_start3A_8 = arith.constant 0 : i32
    %dma_start3A_9 = arith.constant 0 : i32
    %dma_start3A_10 = arith.constant 0 : i32
    %dma_start3A_11 = arith.constant 0 : i32
    %dma_start3A_12 = arith.constant 0 : i32
    %dma_start3A_13 = tpu.memref_slice %arg4[%dma_start3A_8, %dma_start3A_10, %dma_start3A_11, %dma_start3A_12] : memref<4x10x8x256xf32, #tpu.memory_space<vmem>> -> memref<1x10x8x256xf32, #tpu.memory_space<vmem>>
    %dma_start3A_14 = tpu.memref_squeeze %dma_start3A_13 : memref<1x10x8x256xf32, #tpu.memory_space<vmem>> -> memref<10x8x256xf32, #tpu.memory_space<vmem>>
    %dma_start3A_15 = arith.constant 0 : i32
    %dma_start3A_16 = arith.constant 0 : i32
    %dma_start3A_17 = tpu.memref_slice %arg2[%dma_start3A, %dma_start3A_15, %mul3A_7, %dma_start3A_16] : memref<16x10x512x512xf32, #tpu.memory_space<hbm>> -> memref<1x10x8x256xf32, #tpu.memory_space<hbm>>
    %dma_start3A_18 = tpu.memref_squeeze %dma_start3A_17 : memref<1x10x8x256xf32, #tpu.memory_space<hbm>> -> memref<10x8x256xf32, #tpu.memory_space<hbm>>
    %dma_start3A_19 = tpu.memref_slice %arg6[%dma_start3A_9] : memref<4x!tpu.dma_semaphore, #tpu.memory_space<semaphore_mem>> -> memref<1x!tpu.dma_semaphore, #tpu.memory_space<semaphore_mem>>
    %dma_start3A_20 = tpu.memref_squeeze %dma_start3A_19 : memref<1x!tpu.dma_semaphore, #tpu.memory_space<semaphore_mem>> -> memref<!tpu.dma_semaphore, #tpu.memory_space<semaphore_mem>>
    %dma_start3A_21 = arith.constant 0 : i32
    %dma_start3A_22 = arith.constant 0 : i32
    %dma_start3A_23 = arith.constant 0 : i32
    %dma_start3A_24 = tpu.memref_slice %arg4[%dma_start3A_8, %dma_start3A_21, %dma_start3A_22, %dma_start3A_23] : memref<4x10x8x256xf32, #tpu.memory_space<vmem>> -> memref<1x10x8x256xf32, #tpu.memory_space<vmem>>
    %dma_start3A_25 = tpu.memref_squeeze %dma_start3A_24 : memref<1x10x8x256xf32, #tpu.memory_space<vmem>> -> memref<10x8x256xf32, #tpu.memory_space<vmem>>
    %dma_start3A_26 = arith.constant 0 : i32
    %dma_start3A_27 = arith.constant 0 : i32
    %dma_start3A_28 = tpu.memref_slice %arg2[%dma_start3A, %dma_start3A_26, %mul3A_7, %dma_start3A_27] : memref<16x10x512x512xf32, #tpu.memory_space<hbm>> -> memref<1x10x8x256xf32, #tpu.memory_space<hbm>>
    %dma_start3A_29 = tpu.memref_squeeze %dma_start3A_28 : memref<1x10x8x256xf32, #tpu.memory_space<hbm>> -> memref<10x8x256xf32, #tpu.memory_space<hbm>>
    tpu.enqueue_dma source(%dma_start3A_29 : memref<10x8x256xf32, #tpu.memory_space<hbm>>) target(%dma_start3A_25 : memref<10x8x256xf32, #tpu.memory_space<vmem>>) target_semaphore(%dma_start3A_20 : memref<!tpu.dma_semaphore, #tpu.memory_space<semaphore_mem>>)
    %mul3A_30 = arith.constant 2 : i32
    %mul3A_31 = arith.muli %add3A, %mul3A_30 : i32
    %add3A_32 = arith.constant 0 : i32
    %add3A_33 = arith.addi %mul3A_31, %add3A_32 : i32
    %mul3A_34 = arith.constant 8 : i32
    %mul3A_35 = arith.muli %add3A_33, %mul3A_34 : i32
    %dma_start3A_36 = arith.constant 0 : i32
    %dma_start3A_37 = arith.constant 1 : i32
    %dma_start3A_38 = arith.constant 1 : i32
    %dma_start3A_39 = arith.constant 0 : i32
    %dma_start3A_40 = arith.constant 0 : i32
    %dma_start3A_41 = arith.constant 0 : i32
    %dma_start3A_42 = tpu.memref_slice %arg4[%dma_start3A_37, %dma_start3A_39, %dma_start3A_40, %dma_start3A_41] : memref<4x10x8x256xf32, #tpu.memory_space<vmem>> -> memref<1x10x8x256xf32, #tpu.memory_space<vmem>>
    %dma_start3A_43 = tpu.memref_squeeze %dma_start3A_42 : memref<1x10x8x256xf32, #tpu.memory_space<vmem>> -> memref<10x8x256xf32, #tpu.memory_space<vmem>>
    %dma_start3A_44 = arith.constant 0 : i32
    %dma_start3A_45 = arith.constant 256 : i32
    %dma_start3A_46 = tpu.memref_slice %arg2[%dma_start3A_36, %dma_start3A_44, %mul3A_35, %dma_start3A_45] : memref<16x10x512x512xf32, #tpu.memory_space<hbm>> -> memref<1x10x8x256xf32, #tpu.memory_space<hbm>>
    %dma_start3A_47 = tpu.memref_squeeze %dma_start3A_46 : memref<1x10x8x256xf32, #tpu.memory_space<hbm>> -> memref<10x8x256xf32, #tpu.memory_space<hbm>>
    %dma_start3A_48 = tpu.memref_slice %arg6[%dma_start3A_38] : memref<4x!tpu.dma_semaphore, #tpu.memory_space<semaphore_mem>> -> memref<1x!tpu.dma_semaphore, #tpu.memory_space<semaphore_mem>>
    %dma_start3A_49 = tpu.memref_squeeze %dma_start3A_48 : memref<1x!tpu.dma_semaphore, #tpu.memory_space<semaphore_mem>> -> memref<!tpu.dma_semaphore, #tpu.memory_space<semaphore_mem>>
    %dma_start3A_50 = arith.constant 0 : i32
    %dma_start3A_51 = arith.constant 0 : i32
    %dma_start3A_52 = arith.constant 0 : i32
    %dma_start3A_53 = tpu.memref_slice %arg4[%dma_start3A_37, %dma_start3A_50, %dma_start3A_51, %dma_start3A_52] : memref<4x10x8x256xf32, #tpu.memory_space<vmem>> -> memref<1x10x8x256xf32, #tpu.memory_space<vmem>>
    %dma_start3A_54 = tpu.memref_squeeze %dma_start3A_53 : memref<1x10x8x256xf32, #tpu.memory_space<vmem>> -> memref<10x8x256xf32, #tpu.memory_space<vmem>>
    %dma_start3A_55 = arith.constant 0 : i32
    %dma_start3A_56 = arith.constant 256 : i32
    %dma_start3A_57 = tpu.memref_slice %arg2[%dma_start3A_36, %dma_start3A_55, %mul3A_35, %dma_start3A_56] : memref<16x10x512x512xf32, #tpu.memory_space<hbm>> -> memref<1x10x8x256xf32, #tpu.memory_space<hbm>>
    %dma_start3A_58 = tpu.memref_squeeze %dma_start3A_57 : memref<1x10x8x256xf32, #tpu.memory_space<hbm>> -> memref<10x8x256xf32, #tpu.memory_space<hbm>>
    tpu.enqueue_dma source(%dma_start3A_58 : memref<10x8x256xf32, #tpu.memory_space<hbm>>) target(%dma_start3A_54 : memref<10x8x256xf32, #tpu.memory_space<vmem>>) target_semaphore(%dma_start3A_49 : memref<!tpu.dma_semaphore, #tpu.memory_space<semaphore_mem>>)
    %scan3A = arith.constant 0 : i32
    %scan3A_59 = arith.constant 0 : i32
    %scan3A_60 = arith.constant 16 : i32
    %scan3A_61 = arith.addi %scan3A_59, %scan3A_60 : i32
    %scan3A_62 = arith.constant 1 : i32
    scf.for %scan3A_113 = %scan3A_59 to %scan3A_61 step %scan3A_62  : i32 {
      %mul3A_114 = arith.constant 4 : i32
      %mul3A_115 = arith.muli %scan3A_113, %mul3A_114 : i32
      %add3A_116 = arith.constant 0 : i32
      %add3A_117 = arith.addi %mul3A_115, %add3A_116 : i32
      %add3A_118 = arith.constant 2 : i32
      %add3A_119 = arith.addi %add3A_117, %add3A_118 : i32
      %lt3A = arith.constant 64 : i32
      %lt3A_120 = arith.cmpi slt, %add3A_119, %lt3A : i32
      %convert_element_type3A = arith.extui %lt3A_120 : i1 to i32
      %cond3A = arith.constant 0 : i32
      %cond3A_121 = arith.cmpi ne, %convert_element_type3A, %cond3A : i32
      scf.if %cond3A_121 {
        %add3A_693 = arith.constant 2 : i32
        %add3A_694 = arith.addi %add3A_117, %add3A_693 : i32
        %jit3A_695 = arith.constant 4 : i32
        %div3A_696 = arith.divsi %add3A_694, %jit3A_695 : i32
        %sign3A_697 = arith.constant 0 : i32
        %sign3A_698 = arith.cmpi sgt, %add3A_694, %sign3A_697 : i32
        %sign3A_699 = arith.extui %sign3A_698 : i1 to i32
        %sign3A_700 = arith.constant 0 : i32
        %sign3A_701 = arith.cmpi slt, %add3A_694, %sign3A_700 : i32
        %sign3A_702 = arith.extui %sign3A_701 : i1 to i32
        %sign3A_703 = arith.subi %sign3A_699, %sign3A_702 : i32
        %sign3A_704 = arith.constant 0 : i32
        %sign3A_705 = arith.cmpi sgt, %jit3A_695, %sign3A_704 : i32
        %sign3A_706 = arith.extui %sign3A_705 : i1 to i32
        %sign3A_707 = arith.constant 0 : i32
        %sign3A_708 = arith.cmpi slt, %jit3A_695, %sign3A_707 : i32
        %sign3A_709 = arith.extui %sign3A_708 : i1 to i32
        %sign3A_710 = arith.subi %sign3A_706, %sign3A_709 : i32
        %ne3A_711 = arith.cmpi ne, %sign3A_703, %sign3A_710 : i32
        %rem3A_712 = arith.remsi %add3A_694, %jit3A_695 : i32
        %ne3A_713 = arith.constant 0 : i32
        %ne3A_714 = arith.cmpi ne, %rem3A_712, %ne3A_713 : i32
        %and3A_715 = arith.andi %ne3A_711, %ne3A_714 : i1
        %sub3A_716 = arith.constant 1 : i32
        %sub3A_717 = arith.subi %div3A_696, %sub3A_716 : i32
        %select_n3A_718 = arith.select %and3A_715, %sub3A_717, %div3A_696 : i32
        %jit3A_719 = arith.constant 4 : i32
        %eq3A_720 = arith.constant 0 : i32
        %eq3A_721 = arith.cmpi eq, %jit3A_719, %eq3A_720 : i32
        %jit3A_722 = arith.constant 1 : i32
        %select_n3A_723 = arith.select %eq3A_721, %jit3A_722, %jit3A_719 : i32
        %rem3A_724 = arith.remsi %add3A_694, %select_n3A_723 : i32
        %ne3A_725 = arith.constant 0 : i32
        %ne3A_726 = arith.cmpi ne, %rem3A_724, %ne3A_725 : i32
        %lt3A_727 = arith.constant 0 : i32
        %lt3A_728 = arith.cmpi slt, %rem3A_724, %lt3A_727 : i32
        %lt3A_729 = arith.constant 0 : i32
        %lt3A_730 = arith.cmpi slt, %select_n3A_723, %lt3A_729 : i32
        %ne3A_731 = arith.xori %lt3A_728, %lt3A_730 : i1
        %and3A_732 = arith.andi %ne3A_731, %ne3A_726 : i1
        %add3A_733 = arith.addi %rem3A_724, %select_n3A_723 : i32
        %select_n3A_734 = arith.select %and3A_732, %add3A_733, %rem3A_724 : i32
        %mul3A_735 = arith.constant 2 : i32
        %mul3A_736 = arith.muli %add3A, %mul3A_735 : i32
        %jit3A_737 = arith.constant 2 : i32
        %div3A_738 = arith.divsi %select_n3A_734, %jit3A_737 : i32
        %sign3A_739 = arith.constant 0 : i32
        %sign3A_740 = arith.cmpi sgt, %select_n3A_734, %sign3A_739 : i32
        %sign3A_741 = arith.extui %sign3A_740 : i1 to i32
        %sign3A_742 = arith.constant 0 : i32
        %sign3A_743 = arith.cmpi slt, %select_n3A_734, %sign3A_742 : i32
        %sign3A_744 = arith.extui %sign3A_743 : i1 to i32
        %sign3A_745 = arith.subi %sign3A_741, %sign3A_744 : i32
        %sign3A_746 = arith.constant 0 : i32
        %sign3A_747 = arith.cmpi sgt, %jit3A_737, %sign3A_746 : i32
        %sign3A_748 = arith.extui %sign3A_747 : i1 to i32
        %sign3A_749 = arith.constant 0 : i32
        %sign3A_750 = arith.cmpi slt, %jit3A_737, %sign3A_749 : i32
        %sign3A_751 = arith.extui %sign3A_750 : i1 to i32
        %sign3A_752 = arith.subi %sign3A_748, %sign3A_751 : i32
        %ne3A_753 = arith.cmpi ne, %sign3A_745, %sign3A_752 : i32
        %rem3A_754 = arith.remsi %select_n3A_734, %jit3A_737 : i32
        %ne3A_755 = arith.constant 0 : i32
        %ne3A_756 = arith.cmpi ne, %rem3A_754, %ne3A_755 : i32
        %and3A_757 = arith.andi %ne3A_753, %ne3A_756 : i1
        %sub3A_758 = arith.constant 1 : i32
        %sub3A_759 = arith.subi %div3A_738, %sub3A_758 : i32
        %select_n3A_760 = arith.select %and3A_757, %sub3A_759, %div3A_738 : i32
        %add3A_761 = arith.addi %mul3A_736, %select_n3A_760 : i32
        %mul3A_762 = arith.constant 8 : i32
        %mul3A_763 = arith.muli %add3A_761, %mul3A_762 : i32
        %jit3A_764 = arith.constant 2 : i32
        %eq3A_765 = arith.constant 0 : i32
        %eq3A_766 = arith.cmpi eq, %jit3A_764, %eq3A_765 : i32
        %jit3A_767 = arith.constant 1 : i32
        %select_n3A_768 = arith.select %eq3A_766, %jit3A_767, %jit3A_764 : i32
        %rem3A_769 = arith.remsi %select_n3A_734, %select_n3A_768 : i32
        %ne3A_770 = arith.constant 0 : i32
        %ne3A_771 = arith.cmpi ne, %rem3A_769, %ne3A_770 : i32
        %lt3A_772 = arith.constant 0 : i32
        %lt3A_773 = arith.cmpi slt, %rem3A_769, %lt3A_772 : i32
        %lt3A_774 = arith.constant 0 : i32
        %lt3A_775 = arith.cmpi slt, %select_n3A_768, %lt3A_774 : i32
        %ne3A_776 = arith.xori %lt3A_773, %lt3A_775 : i1
        %and3A_777 = arith.andi %ne3A_776, %ne3A_771 : i1
        %add3A_778 = arith.addi %rem3A_769, %select_n3A_768 : i32
        %select_n3A_779 = arith.select %and3A_777, %add3A_778, %rem3A_769 : i32
        %mul3A_780 = arith.constant 256 : i32
        %mul3A_781 = arith.muli %select_n3A_779, %mul3A_780 : i32
        %dma_start3A_782 = arith.constant 2 : i32
        %dma_start3A_783 = arith.constant 2 : i32
        %dma_start3A_784 = arith.constant 0 : i32
        %dma_start3A_785 = arith.constant 0 : i32
        %dma_start3A_786 = arith.constant 0 : i32
        %dma_start3A_787 = tpu.memref_slice %arg4[%dma_start3A_782, %dma_start3A_784, %dma_start3A_785, %dma_start3A_786] : memref<4x10x8x256xf32, #tpu.memory_space<vmem>> -> memref<1x10x8x256xf32, #tpu.memory_space<vmem>>
        %dma_start3A_788 = tpu.memref_squeeze %dma_start3A_787 : memref<1x10x8x256xf32, #tpu.memory_space<vmem>> -> memref<10x8x256xf32, #tpu.memory_space<vmem>>
        %dma_start3A_789 = arith.constant 0 : i32
        %dma_start3A_790 = tpu.memref_slice %arg2[%select_n3A_718, %dma_start3A_789, %mul3A_763, %mul3A_781] : memref<16x10x512x512xf32, #tpu.memory_space<hbm>> -> memref<1x10x8x256xf32, #tpu.memory_space<hbm>>
        %dma_start3A_791 = tpu.memref_squeeze %dma_start3A_790 : memref<1x10x8x256xf32, #tpu.memory_space<hbm>> -> memref<10x8x256xf32, #tpu.memory_space<hbm>>
        %dma_start3A_792 = tpu.memref_slice %arg6[%dma_start3A_783] : memref<4x!tpu.dma_semaphore, #tpu.memory_space<semaphore_mem>> -> memref<1x!tpu.dma_semaphore, #tpu.memory_space<semaphore_mem>>
        %dma_start3A_793 = tpu.memref_squeeze %dma_start3A_792 : memref<1x!tpu.dma_semaphore, #tpu.memory_space<semaphore_mem>> -> memref<!tpu.dma_semaphore, #tpu.memory_space<semaphore_mem>>
        %dma_start3A_794 = arith.constant 0 : i32
        %dma_start3A_795 = arith.constant 0 : i32
        %dma_start3A_796 = arith.constant 0 : i32
        %dma_start3A_797 = tpu.memref_slice %arg4[%dma_start3A_782, %dma_start3A_794, %dma_start3A_795, %dma_start3A_796] : memref<4x10x8x256xf32, #tpu.memory_space<vmem>> -> memref<1x10x8x256xf32, #tpu.memory_space<vmem>>
        %dma_start3A_798 = tpu.memref_squeeze %dma_start3A_797 : memref<1x10x8x256xf32, #tpu.memory_space<vmem>> -> memref<10x8x256xf32, #tpu.memory_space<vmem>>
        %dma_start3A_799 = arith.constant 0 : i32
        %dma_start3A_800 = tpu.memref_slice %arg2[%select_n3A_718, %dma_start3A_799, %mul3A_763, %mul3A_781] : memref<16x10x512x512xf32, #tpu.memory_space<hbm>> -> memref<1x10x8x256xf32, #tpu.memory_space<hbm>>
        %dma_start3A_801 = tpu.memref_squeeze %dma_start3A_800 : memref<1x10x8x256xf32, #tpu.memory_space<hbm>> -> memref<10x8x256xf32, #tpu.memory_space<hbm>>
        tpu.enqueue_dma source(%dma_start3A_801 : memref<10x8x256xf32, #tpu.memory_space<hbm>>) target(%dma_start3A_798 : memref<10x8x256xf32, #tpu.memory_space<vmem>>) target_semaphore(%dma_start3A_793 : memref<!tpu.dma_semaphore, #tpu.memory_space<semaphore_mem>>)
      } else {
      }
      %dma_wait3A_122 = arith.constant 0 : i32
      %dma_wait3A_123 = arith.constant 0 : i32
      %dma_wait3A_124 = arith.constant 0 : i32
      %dma_wait3A_125 = arith.constant 0 : i32
      %dma_wait3A_126 = arith.constant 0 : i32
      %dma_wait3A_127 = arith.constant 0 : i32
      %dma_wait3A_128 = tpu.memref_slice %arg4[%dma_wait3A_123, %dma_wait3A_125, %dma_wait3A_126, %dma_wait3A_127] : memref<4x10x8x256xf32, #tpu.memory_space<vmem>> -> memref<1x10x8x256xf32, #tpu.memory_space<vmem>>
      %dma_wait3A_129 = tpu.memref_squeeze %dma_wait3A_128 : memref<1x10x8x256xf32, #tpu.memory_space<vmem>> -> memref<10x8x256xf32, #tpu.memory_space<vmem>>
      %dma_wait3A_130 = arith.constant 0 : i32
      %dma_wait3A_131 = arith.constant 0 : i32
      %dma_wait3A_132 = arith.constant 0 : i32
      %dma_wait3A_133 = tpu.memref_slice %arg2[%dma_wait3A_122, %dma_wait3A_130, %dma_wait3A_131, %dma_wait3A_132] : memref<16x10x512x512xf32, #tpu.memory_space<hbm>> -> memref<1x10x8x256xf32, #tpu.memory_space<hbm>>
      %dma_wait3A_134 = tpu.memref_squeeze %dma_wait3A_133 : memref<1x10x8x256xf32, #tpu.memory_space<hbm>> -> memref<10x8x256xf32, #tpu.memory_space<hbm>>
      %dma_wait3A_135 = tpu.memref_slice %arg6[%dma_wait3A_124] : memref<4x!tpu.dma_semaphore, #tpu.memory_space<semaphore_mem>> -> memref<1x!tpu.dma_semaphore, #tpu.memory_space<semaphore_mem>>
      %dma_wait3A_136 = tpu.memref_squeeze %dma_wait3A_135 : memref<1x!tpu.dma_semaphore, #tpu.memory_space<semaphore_mem>> -> memref<!tpu.dma_semaphore, #tpu.memory_space<semaphore_mem>>
      %dma_wait3A_137 = arith.constant 0 : i32
      %dma_wait3A_138 = arith.constant 0 : i32
      %dma_wait3A_139 = arith.constant 0 : i32
      %dma_wait3A_140 = tpu.memref_slice %arg4[%dma_wait3A_123, %dma_wait3A_137, %dma_wait3A_138, %dma_wait3A_139] : memref<4x10x8x256xf32, #tpu.memory_space<vmem>> -> memref<1x10x8x256xf32, #tpu.memory_space<vmem>>
      %dma_wait3A_141 = tpu.memref_squeeze %dma_wait3A_140 : memref<1x10x8x256xf32, #tpu.memory_space<vmem>> -> memref<10x8x256xf32, #tpu.memory_space<vmem>>
      %dma_wait3A_142 = arith.constant 0 : i32
      %dma_wait3A_143 = arith.constant 0 : i32
      %dma_wait3A_144 = arith.constant 0 : i32
      %dma_wait3A_145 = tpu.memref_slice %arg2[%dma_wait3A_122, %dma_wait3A_142, %dma_wait3A_143, %dma_wait3A_144] : memref<16x10x512x512xf32, #tpu.memory_space<hbm>> -> memref<1x10x8x256xf32, #tpu.memory_space<hbm>>
      %dma_wait3A_146 = tpu.memref_squeeze %dma_wait3A_145 : memref<1x10x8x256xf32, #tpu.memory_space<hbm>> -> memref<10x8x256xf32, #tpu.memory_space<hbm>>
      tpu.wait_dma2 semaphore(%dma_wait3A_136 : memref<!tpu.dma_semaphore, #tpu.memory_space<semaphore_mem>>) src(%dma_wait3A_146 : memref<10x8x256xf32, #tpu.memory_space<hbm>>) dst(%dma_wait3A_141 : memref<10x8x256xf32, #tpu.memory_space<vmem>>)
      %ge3A = arith.constant 2 : i32
      %ge3A_147 = arith.cmpi sge, %add3A_117, %ge3A : i32
      %convert_element_type3A_148 = arith.extui %ge3A_147 : i1 to i32
      %cond3A_149 = arith.constant 0 : i32
      %cond3A_150 = arith.cmpi ne, %convert_element_type3A_148, %cond3A_149 : i32
      scf.if %cond3A_150 {
        %dma_wait3A_693 = arith.constant 0 : i32
        %dma_wait3A_694 = arith.constant 0 : i32
        %dma_wait3A_695 = arith.constant 0 : i32
        %dma_wait3A_696 = arith.constant 0 : i32
        %dma_wait3A_697 = arith.constant 0 : i32
        %dma_wait3A_698 = arith.constant 0 : i32
        %dma_wait3A_699 = tpu.memref_slice %arg5[%dma_wait3A_693, %dma_wait3A_696, %dma_wait3A_697, %dma_wait3A_698] : memref<2x8x8x256xf32, #tpu.memory_space<vmem>> -> memref<1x8x8x256xf32, #tpu.memory_space<vmem>>
        %dma_wait3A_700 = tpu.memref_squeeze %dma_wait3A_699 : memref<1x8x8x256xf32, #tpu.memory_space<vmem>> -> memref<8x8x256xf32, #tpu.memory_space<vmem>>
        %dma_wait3A_701 = arith.constant 0 : i32
        %dma_wait3A_702 = arith.constant 0 : i32
        %dma_wait3A_703 = arith.constant 0 : i32
        %dma_wait3A_704 = tpu.memref_slice %arg3[%dma_wait3A_694, %dma_wait3A_701, %dma_wait3A_702, %dma_wait3A_703] : memref<16x8x512x512xf32, #tpu.memory_space<hbm>> -> memref<1x8x8x256xf32, #tpu.memory_space<hbm>>
        %dma_wait3A_705 = tpu.memref_squeeze %dma_wait3A_704 : memref<1x8x8x256xf32, #tpu.memory_space<hbm>> -> memref<8x8x256xf32, #tpu.memory_space<hbm>>
        %dma_wait3A_706 = tpu.memref_slice %arg7[%dma_wait3A_695] : memref<2x!tpu.dma_semaphore, #tpu.memory_space<semaphore_mem>> -> memref<1x!tpu.dma_semaphore, #tpu.memory_space<semaphore_mem>>
        %dma_wait3A_707 = tpu.memref_squeeze %dma_wait3A_706 : memref<1x!tpu.dma_semaphore, #tpu.memory_space<semaphore_mem>> -> memref<!tpu.dma_semaphore, #tpu.memory_space<semaphore_mem>>
        %dma_wait3A_708 = arith.constant 0 : i32
        %dma_wait3A_709 = arith.constant 0 : i32
        %dma_wait3A_710 = arith.constant 0 : i32
        %dma_wait3A_711 = tpu.memref_slice %arg3[%dma_wait3A_694, %dma_wait3A_708, %dma_wait3A_709, %dma_wait3A_710] : memref<16x8x512x512xf32, #tpu.memory_space<hbm>> -> memref<1x8x8x256xf32, #tpu.memory_space<hbm>>
        %dma_wait3A_712 = tpu.memref_squeeze %dma_wait3A_711 : memref<1x8x8x256xf32, #tpu.memory_space<hbm>> -> memref<8x8x256xf32, #tpu.memory_space<hbm>>
        %dma_wait3A_713 = arith.constant 0 : i32
        %dma_wait3A_714 = arith.constant 0 : i32
        %dma_wait3A_715 = arith.constant 0 : i32
        %dma_wait3A_716 = tpu.memref_slice %arg5[%dma_wait3A_693, %dma_wait3A_713, %dma_wait3A_714, %dma_wait3A_715] : memref<2x8x8x256xf32, #tpu.memory_space<vmem>> -> memref<1x8x8x256xf32, #tpu.memory_space<vmem>>
        %dma_wait3A_717 = tpu.memref_squeeze %dma_wait3A_716 : memref<1x8x8x256xf32, #tpu.memory_space<vmem>> -> memref<8x8x256xf32, #tpu.memory_space<vmem>>
        tpu.wait_dma2 semaphore(%dma_wait3A_707 : memref<!tpu.dma_semaphore, #tpu.memory_space<semaphore_mem>>) src(%dma_wait3A_717 : memref<8x8x256xf32, #tpu.memory_space<vmem>>) dst(%dma_wait3A_712 : memref<8x8x256xf32, #tpu.memory_space<hbm>>)
      } else {
      }
      %jit3A = arith.constant 4 : i32
      %div3A = arith.divsi %add3A_117, %jit3A : i32
      %sign3A = arith.constant 0 : i32
      %sign3A_151 = arith.cmpi sgt, %add3A_117, %sign3A : i32
      %sign3A_152 = arith.extui %sign3A_151 : i1 to i32
      %sign3A_153 = arith.constant 0 : i32
      %sign3A_154 = arith.cmpi slt, %add3A_117, %sign3A_153 : i32
      %sign3A_155 = arith.extui %sign3A_154 : i1 to i32
      %sign3A_156 = arith.subi %sign3A_152, %sign3A_155 : i32
      %sign3A_157 = arith.constant 0 : i32
      %sign3A_158 = arith.cmpi sgt, %jit3A, %sign3A_157 : i32
      %sign3A_159 = arith.extui %sign3A_158 : i1 to i32
      %sign3A_160 = arith.constant 0 : i32
      %sign3A_161 = arith.cmpi slt, %jit3A, %sign3A_160 : i32
      %sign3A_162 = arith.extui %sign3A_161 : i1 to i32
      %sign3A_163 = arith.subi %sign3A_159, %sign3A_162 : i32
      %ne3A = arith.cmpi ne, %sign3A_156, %sign3A_163 : i32
      %rem3A = arith.remsi %add3A_117, %jit3A : i32
      %ne3A_164 = arith.constant 0 : i32
      %ne3A_165 = arith.cmpi ne, %rem3A, %ne3A_164 : i32
      %and3A = arith.andi %ne3A, %ne3A_165 : i1
      %sub3A = arith.constant 1 : i32
      %sub3A_166 = arith.subi %div3A, %sub3A : i32
      %select_n3A = arith.select %and3A, %sub3A_166, %div3A : i32
      %jit3A_167 = arith.constant 4 : i32
      %eq3A = arith.constant 0 : i32
      %eq3A_168 = arith.cmpi eq, %jit3A_167, %eq3A : i32
      %jit3A_169 = arith.constant 1 : i32
      %select_n3A_170 = arith.select %eq3A_168, %jit3A_169, %jit3A_167 : i32
      %rem3A_171 = arith.remsi %add3A_117, %select_n3A_170 : i32
      %ne3A_172 = arith.constant 0 : i32
      %ne3A_173 = arith.cmpi ne, %rem3A_171, %ne3A_172 : i32
      %lt3A_174 = arith.constant 0 : i32
      %lt3A_175 = arith.cmpi slt, %rem3A_171, %lt3A_174 : i32
      %lt3A_176 = arith.constant 0 : i32
      %lt3A_177 = arith.cmpi slt, %select_n3A_170, %lt3A_176 : i32
      %ne3A_178 = arith.xori %lt3A_175, %lt3A_177 : i1
      %and3A_179 = arith.andi %ne3A_178, %ne3A_173 : i1
      %add3A_180 = arith.addi %rem3A_171, %select_n3A_170 : i32
      %select_n3A_181 = arith.select %and3A_179, %add3A_180, %rem3A_171 : i32
      %mul3A_182 = arith.constant 2 : i32
      %mul3A_183 = arith.muli %add3A, %mul3A_182 : i32
      %jit3A_184 = arith.constant 2 : i32
      %div3A_185 = arith.divsi %select_n3A_181, %jit3A_184 : i32
      %sign3A_186 = arith.constant 0 : i32
      %sign3A_187 = arith.cmpi sgt, %select_n3A_181, %sign3A_186 : i32
      %sign3A_188 = arith.extui %sign3A_187 : i1 to i32
      %sign3A_189 = arith.constant 0 : i32
      %sign3A_190 = arith.cmpi slt, %select_n3A_181, %sign3A_189 : i32
      %sign3A_191 = arith.extui %sign3A_190 : i1 to i32
      %sign3A_192 = arith.subi %sign3A_188, %sign3A_191 : i32
      %sign3A_193 = arith.constant 0 : i32
      %sign3A_194 = arith.cmpi sgt, %jit3A_184, %sign3A_193 : i32
      %sign3A_195 = arith.extui %sign3A_194 : i1 to i32
      %sign3A_196 = arith.constant 0 : i32
      %sign3A_197 = arith.cmpi slt, %jit3A_184, %sign3A_196 : i32
      %sign3A_198 = arith.extui %sign3A_197 : i1 to i32
      %sign3A_199 = arith.subi %sign3A_195, %sign3A_198 : i32
      %ne3A_200 = arith.cmpi ne, %sign3A_192, %sign3A_199 : i32
      %rem3A_201 = arith.remsi %select_n3A_181, %jit3A_184 : i32
      %ne3A_202 = arith.constant 0 : i32
      %ne3A_203 = arith.cmpi ne, %rem3A_201, %ne3A_202 : i32
      %and3A_204 = arith.andi %ne3A_200, %ne3A_203 : i1
      %sub3A_205 = arith.constant 1 : i32
      %sub3A_206 = arith.subi %div3A_185, %sub3A_205 : i32
      %select_n3A_207 = arith.select %and3A_204, %sub3A_206, %div3A_185 : i32
      %add3A_208 = arith.addi %mul3A_183, %select_n3A_207 : i32
      %mul3A_209 = arith.constant 8 : i32
      %mul3A_210 = arith.muli %add3A_208, %mul3A_209 : i32
      %jit3A_211 = arith.constant 2 : i32
      %eq3A_212 = arith.constant 0 : i32
      %eq3A_213 = arith.cmpi eq, %jit3A_211, %eq3A_212 : i32
      %jit3A_214 = arith.constant 1 : i32
      %select_n3A_215 = arith.select %eq3A_213, %jit3A_214, %jit3A_211 : i32
      %rem3A_216 = arith.remsi %select_n3A_181, %select_n3A_215 : i32
      %ne3A_217 = arith.constant 0 : i32
      %ne3A_218 = arith.cmpi ne, %rem3A_216, %ne3A_217 : i32
      %lt3A_219 = arith.constant 0 : i32
      %lt3A_220 = arith.cmpi slt, %rem3A_216, %lt3A_219 : i32
      %lt3A_221 = arith.constant 0 : i32
      %lt3A_222 = arith.cmpi slt, %select_n3A_215, %lt3A_221 : i32
      %ne3A_223 = arith.xori %lt3A_220, %lt3A_222 : i1
      %and3A_224 = arith.andi %ne3A_223, %ne3A_218 : i1
      %add3A_225 = arith.addi %rem3A_216, %select_n3A_215 : i32
      %select_n3A_226 = arith.select %and3A_224, %add3A_225, %rem3A_216 : i32
      %mul3A_227 = arith.constant 256 : i32
      %mul3A_228 = arith.muli %select_n3A_226, %mul3A_227 : i32
      %dma_start3A_229 = arith.constant 0 : i32
      %dma_start3A_230 = arith.constant 0 : i32
      %dma_start3A_231 = arith.constant 0 : i32
      %dma_start3A_232 = arith.constant 0 : i32
      %dma_start3A_233 = arith.constant 0 : i32
      %dma_start3A_234 = tpu.memref_slice %arg5[%dma_start3A_229, %dma_start3A_231, %dma_start3A_232, %dma_start3A_233] : memref<2x8x8x256xf32, #tpu.memory_space<vmem>> -> memref<1x8x8x256xf32, #tpu.memory_space<vmem>>
      %dma_start3A_235 = tpu.memref_squeeze %dma_start3A_234 : memref<1x8x8x256xf32, #tpu.memory_space<vmem>> -> memref<8x8x256xf32, #tpu.memory_space<vmem>>
      %dma_start3A_236 = arith.constant 0 : i32
      %dma_start3A_237 = tpu.memref_slice %arg3[%select_n3A, %dma_start3A_236, %mul3A_210, %mul3A_228] : memref<16x8x512x512xf32, #tpu.memory_space<hbm>> -> memref<1x8x8x256xf32, #tpu.memory_space<hbm>>
      %dma_start3A_238 = tpu.memref_squeeze %dma_start3A_237 : memref<1x8x8x256xf32, #tpu.memory_space<hbm>> -> memref<8x8x256xf32, #tpu.memory_space<hbm>>
      %dma_start3A_239 = tpu.memref_slice %arg7[%dma_start3A_230] : memref<2x!tpu.dma_semaphore, #tpu.memory_space<semaphore_mem>> -> memref<1x!tpu.dma_semaphore, #tpu.memory_space<semaphore_mem>>
      %dma_start3A_240 = tpu.memref_squeeze %dma_start3A_239 : memref<1x!tpu.dma_semaphore, #tpu.memory_space<semaphore_mem>> -> memref<!tpu.dma_semaphore, #tpu.memory_space<semaphore_mem>>
      %dma_start3A_241 = arith.constant 0 : i32
      %dma_start3A_242 = tpu.memref_slice %arg3[%select_n3A, %dma_start3A_241, %mul3A_210, %mul3A_228] : memref<16x8x512x512xf32, #tpu.memory_space<hbm>> -> memref<1x8x8x256xf32, #tpu.memory_space<hbm>>
      %dma_start3A_243 = tpu.memref_squeeze %dma_start3A_242 : memref<1x8x8x256xf32, #tpu.memory_space<hbm>> -> memref<8x8x256xf32, #tpu.memory_space<hbm>>
      %dma_start3A_244 = arith.constant 0 : i32
      %dma_start3A_245 = arith.constant 0 : i32
      %dma_start3A_246 = arith.constant 0 : i32
      %dma_start3A_247 = tpu.memref_slice %arg5[%dma_start3A_229, %dma_start3A_244, %dma_start3A_245, %dma_start3A_246] : memref<2x8x8x256xf32, #tpu.memory_space<vmem>> -> memref<1x8x8x256xf32, #tpu.memory_space<vmem>>
      %dma_start3A_248 = tpu.memref_squeeze %dma_start3A_247 : memref<1x8x8x256xf32, #tpu.memory_space<vmem>> -> memref<8x8x256xf32, #tpu.memory_space<vmem>>
      tpu.enqueue_dma source(%dma_start3A_248 : memref<8x8x256xf32, #tpu.memory_space<vmem>>) target(%dma_start3A_243 : memref<8x8x256xf32, #tpu.memory_space<hbm>>) target_semaphore(%dma_start3A_240 : memref<!tpu.dma_semaphore, #tpu.memory_space<semaphore_mem>>)
      %mul3A_249 = arith.constant 4 : i32
      %mul3A_250 = arith.muli %scan3A_113, %mul3A_249 : i32
      %add3A_251 = arith.constant 1 : i32
      %add3A_252 = arith.addi %mul3A_250, %add3A_251 : i32
      %add3A_253 = arith.constant 2 : i32
      %add3A_254 = arith.addi %add3A_252, %add3A_253 : i32
      %lt3A_255 = arith.constant 64 : i32
      %lt3A_256 = arith.cmpi slt, %add3A_254, %lt3A_255 : i32
      %convert_element_type3A_257 = arith.extui %lt3A_256 : i1 to i32
      %cond3A_258 = arith.constant 0 : i32
      %cond3A_259 = arith.cmpi ne, %convert_element_type3A_257, %cond3A_258 : i32
      scf.if %cond3A_259 {
        %add3A_693 = arith.constant 2 : i32
        %add3A_694 = arith.addi %add3A_252, %add3A_693 : i32
        %jit3A_695 = arith.constant 4 : i32
        %div3A_696 = arith.divsi %add3A_694, %jit3A_695 : i32
        %sign3A_697 = arith.constant 0 : i32
        %sign3A_698 = arith.cmpi sgt, %add3A_694, %sign3A_697 : i32
        %sign3A_699 = arith.extui %sign3A_698 : i1 to i32
        %sign3A_700 = arith.constant 0 : i32
        %sign3A_701 = arith.cmpi slt, %add3A_694, %sign3A_700 : i32
        %sign3A_702 = arith.extui %sign3A_701 : i1 to i32
        %sign3A_703 = arith.subi %sign3A_699, %sign3A_702 : i32
        %sign3A_704 = arith.constant 0 : i32
        %sign3A_705 = arith.cmpi sgt, %jit3A_695, %sign3A_704 : i32
        %sign3A_706 = arith.extui %sign3A_705 : i1 to i32
        %sign3A_707 = arith.constant 0 : i32
        %sign3A_708 = arith.cmpi slt, %jit3A_695, %sign3A_707 : i32
        %sign3A_709 = arith.extui %sign3A_708 : i1 to i32
        %sign3A_710 = arith.subi %sign3A_706, %sign3A_709 : i32
        %ne3A_711 = arith.cmpi ne, %sign3A_703, %sign3A_710 : i32
        %rem3A_712 = arith.remsi %add3A_694, %jit3A_695 : i32
        %ne3A_713 = arith.constant 0 : i32
        %ne3A_714 = arith.cmpi ne, %rem3A_712, %ne3A_713 : i32
        %and3A_715 = arith.andi %ne3A_711, %ne3A_714 : i1
        %sub3A_716 = arith.constant 1 : i32
        %sub3A_717 = arith.subi %div3A_696, %sub3A_716 : i32
        %select_n3A_718 = arith.select %and3A_715, %sub3A_717, %div3A_696 : i32
        %jit3A_719 = arith.constant 4 : i32
        %eq3A_720 = arith.constant 0 : i32
        %eq3A_721 = arith.cmpi eq, %jit3A_719, %eq3A_720 : i32
        %jit3A_722 = arith.constant 1 : i32
        %select_n3A_723 = arith.select %eq3A_721, %jit3A_722, %jit3A_719 : i32
        %rem3A_724 = arith.remsi %add3A_694, %select_n3A_723 : i32
        %ne3A_725 = arith.constant 0 : i32
        %ne3A_726 = arith.cmpi ne, %rem3A_724, %ne3A_725 : i32
        %lt3A_727 = arith.constant 0 : i32
        %lt3A_728 = arith.cmpi slt, %rem3A_724, %lt3A_727 : i32
        %lt3A_729 = arith.constant 0 : i32
        %lt3A_730 = arith.cmpi slt, %select_n3A_723, %lt3A_729 : i32
        %ne3A_731 = arith.xori %lt3A_728, %lt3A_730 : i1
        %and3A_732 = arith.andi %ne3A_731, %ne3A_726 : i1
        %add3A_733 = arith.addi %rem3A_724, %select_n3A_723 : i32
        %select_n3A_734 = arith.select %and3A_732, %add3A_733, %rem3A_724 : i32
        %mul3A_735 = arith.constant 2 : i32
        %mul3A_736 = arith.muli %add3A, %mul3A_735 : i32
        %jit3A_737 = arith.constant 2 : i32
        %div3A_738 = arith.divsi %select_n3A_734, %jit3A_737 : i32
        %sign3A_739 = arith.constant 0 : i32
        %sign3A_740 = arith.cmpi sgt, %select_n3A_734, %sign3A_739 : i32
        %sign3A_741 = arith.extui %sign3A_740 : i1 to i32
        %sign3A_742 = arith.constant 0 : i32
        %sign3A_743 = arith.cmpi slt, %select_n3A_734, %sign3A_742 : i32
        %sign3A_744 = arith.extui %sign3A_743 : i1 to i32
        %sign3A_745 = arith.subi %sign3A_741, %sign3A_744 : i32
        %sign3A_746 = arith.constant 0 : i32
        %sign3A_747 = arith.cmpi sgt, %jit3A_737, %sign3A_746 : i32
        %sign3A_748 = arith.extui %sign3A_747 : i1 to i32
        %sign3A_749 = arith.constant 0 : i32
        %sign3A_750 = arith.cmpi slt, %jit3A_737, %sign3A_749 : i32
        %sign3A_751 = arith.extui %sign3A_750 : i1 to i32
        %sign3A_752 = arith.subi %sign3A_748, %sign3A_751 : i32
        %ne3A_753 = arith.cmpi ne, %sign3A_745, %sign3A_752 : i32
        %rem3A_754 = arith.remsi %select_n3A_734, %jit3A_737 : i32
        %ne3A_755 = arith.constant 0 : i32
        %ne3A_756 = arith.cmpi ne, %rem3A_754, %ne3A_755 : i32
        %and3A_757 = arith.andi %ne3A_753, %ne3A_756 : i1
        %sub3A_758 = arith.constant 1 : i32
        %sub3A_759 = arith.subi %div3A_738, %sub3A_758 : i32
        %select_n3A_760 = arith.select %and3A_757, %sub3A_759, %div3A_738 : i32
        %add3A_761 = arith.addi %mul3A_736, %select_n3A_760 : i32
        %mul3A_762 = arith.constant 8 : i32
        %mul3A_763 = arith.muli %add3A_761, %mul3A_762 : i32
        %jit3A_764 = arith.constant 2 : i32
        %eq3A_765 = arith.constant 0 : i32
        %eq3A_766 = arith.cmpi eq, %jit3A_764, %eq3A_765 : i32
        %jit3A_767 = arith.constant 1 : i32
        %select_n3A_768 = arith.select %eq3A_766, %jit3A_767, %jit3A_764 : i32
        %rem3A_769 = arith.remsi %select_n3A_734, %select_n3A_768 : i32
        %ne3A_770 = arith.constant 0 : i32
        %ne3A_771 = arith.cmpi ne, %rem3A_769, %ne3A_770 : i32
        %lt3A_772 = arith.constant 0 : i32
        %lt3A_773 = arith.cmpi slt, %rem3A_769, %lt3A_772 : i32
        %lt3A_774 = arith.constant 0 : i32
        %lt3A_775 = arith.cmpi slt, %select_n3A_768, %lt3A_774 : i32
        %ne3A_776 = arith.xori %lt3A_773, %lt3A_775 : i1
        %and3A_777 = arith.andi %ne3A_776, %ne3A_771 : i1
        %add3A_778 = arith.addi %rem3A_769, %select_n3A_768 : i32
        %select_n3A_779 = arith.select %and3A_777, %add3A_778, %rem3A_769 : i32
        %mul3A_780 = arith.constant 256 : i32
        %mul3A_781 = arith.muli %select_n3A_779, %mul3A_780 : i32
        %dma_start3A_782 = arith.constant 3 : i32
        %dma_start3A_783 = arith.constant 3 : i32
        %dma_start3A_784 = arith.constant 0 : i32
        %dma_start3A_785 = arith.constant 0 : i32
        %dma_start3A_786 = arith.constant 0 : i32
        %dma_start3A_787 = tpu.memref_slice %arg4[%dma_start3A_782, %dma_start3A_784, %dma_start3A_785, %dma_start3A_786] : memref<4x10x8x256xf32, #tpu.memory_space<vmem>> -> memref<1x10x8x256xf32, #tpu.memory_space<vmem>>
        %dma_start3A_788 = tpu.memref_squeeze %dma_start3A_787 : memref<1x10x8x256xf32, #tpu.memory_space<vmem>> -> memref<10x8x256xf32, #tpu.memory_space<vmem>>
        %dma_start3A_789 = arith.constant 0 : i32
        %dma_start3A_790 = tpu.memref_slice %arg2[%select_n3A_718, %dma_start3A_789, %mul3A_763, %mul3A_781] : memref<16x10x512x512xf32, #tpu.memory_space<hbm>> -> memref<1x10x8x256xf32, #tpu.memory_space<hbm>>
        %dma_start3A_791 = tpu.memref_squeeze %dma_start3A_790 : memref<1x10x8x256xf32, #tpu.memory_space<hbm>> -> memref<10x8x256xf32, #tpu.memory_space<hbm>>
        %dma_start3A_792 = tpu.memref_slice %arg6[%dma_start3A_783] : memref<4x!tpu.dma_semaphore, #tpu.memory_space<semaphore_mem>> -> memref<1x!tpu.dma_semaphore, #tpu.memory_space<semaphore_mem>>
        %dma_start3A_793 = tpu.memref_squeeze %dma_start3A_792 : memref<1x!tpu.dma_semaphore, #tpu.memory_space<semaphore_mem>> -> memref<!tpu.dma_semaphore, #tpu.memory_space<semaphore_mem>>
        %dma_start3A_794 = arith.constant 0 : i32
        %dma_start3A_795 = arith.constant 0 : i32
        %dma_start3A_796 = arith.constant 0 : i32
        %dma_start3A_797 = tpu.memref_slice %arg4[%dma_start3A_782, %dma_start3A_794, %dma_start3A_795, %dma_start3A_796] : memref<4x10x8x256xf32, #tpu.memory_space<vmem>> -> memref<1x10x8x256xf32, #tpu.memory_space<vmem>>
        %dma_start3A_798 = tpu.memref_squeeze %dma_start3A_797 : memref<1x10x8x256xf32, #tpu.memory_space<vmem>> -> memref<10x8x256xf32, #tpu.memory_space<vmem>>
        %dma_start3A_799 = arith.constant 0 : i32
        %dma_start3A_800 = tpu.memref_slice %arg2[%select_n3A_718, %dma_start3A_799, %mul3A_763, %mul3A_781] : memref<16x10x512x512xf32, #tpu.memory_space<hbm>> -> memref<1x10x8x256xf32, #tpu.memory_space<hbm>>
        %dma_start3A_801 = tpu.memref_squeeze %dma_start3A_800 : memref<1x10x8x256xf32, #tpu.memory_space<hbm>> -> memref<10x8x256xf32, #tpu.memory_space<hbm>>
        tpu.enqueue_dma source(%dma_start3A_801 : memref<10x8x256xf32, #tpu.memory_space<hbm>>) target(%dma_start3A_798 : memref<10x8x256xf32, #tpu.memory_space<vmem>>) target_semaphore(%dma_start3A_793 : memref<!tpu.dma_semaphore, #tpu.memory_space<semaphore_mem>>)
      } else {
      }
      %dma_wait3A_260 = arith.constant 0 : i32
      %dma_wait3A_261 = arith.constant 1 : i32
      %dma_wait3A_262 = arith.constant 1 : i32
      %dma_wait3A_263 = arith.constant 0 : i32
      %dma_wait3A_264 = arith.constant 0 : i32
      %dma_wait3A_265 = arith.constant 0 : i32
      %dma_wait3A_266 = tpu.memref_slice %arg4[%dma_wait3A_261, %dma_wait3A_263, %dma_wait3A_264, %dma_wait3A_265] : memref<4x10x8x256xf32, #tpu.memory_space<vmem>> -> memref<1x10x8x256xf32, #tpu.memory_space<vmem>>
      %dma_wait3A_267 = tpu.memref_squeeze %dma_wait3A_266 : memref<1x10x8x256xf32, #tpu.memory_space<vmem>> -> memref<10x8x256xf32, #tpu.memory_space<vmem>>
      %dma_wait3A_268 = arith.constant 0 : i32
      %dma_wait3A_269 = arith.constant 0 : i32
      %dma_wait3A_270 = arith.constant 0 : i32
      %dma_wait3A_271 = tpu.memref_slice %arg2[%dma_wait3A_260, %dma_wait3A_268, %dma_wait3A_269, %dma_wait3A_270] : memref<16x10x512x512xf32, #tpu.memory_space<hbm>> -> memref<1x10x8x256xf32, #tpu.memory_space<hbm>>
      %dma_wait3A_272 = tpu.memref_squeeze %dma_wait3A_271 : memref<1x10x8x256xf32, #tpu.memory_space<hbm>> -> memref<10x8x256xf32, #tpu.memory_space<hbm>>
      %dma_wait3A_273 = tpu.memref_slice %arg6[%dma_wait3A_262] : memref<4x!tpu.dma_semaphore, #tpu.memory_space<semaphore_mem>> -> memref<1x!tpu.dma_semaphore, #tpu.memory_space<semaphore_mem>>
      %dma_wait3A_274 = tpu.memref_squeeze %dma_wait3A_273 : memref<1x!tpu.dma_semaphore, #tpu.memory_space<semaphore_mem>> -> memref<!tpu.dma_semaphore, #tpu.memory_space<semaphore_mem>>
      %dma_wait3A_275 = arith.constant 0 : i32
      %dma_wait3A_276 = arith.constant 0 : i32
      %dma_wait3A_277 = arith.constant 0 : i32
      %dma_wait3A_278 = tpu.memref_slice %arg4[%dma_wait3A_261, %dma_wait3A_275, %dma_wait3A_276, %dma_wait3A_277] : memref<4x10x8x256xf32, #tpu.memory_space<vmem>> -> memref<1x10x8x256xf32, #tpu.memory_space<vmem>>
      %dma_wait3A_279 = tpu.memref_squeeze %dma_wait3A_278 : memref<1x10x8x256xf32, #tpu.memory_space<vmem>> -> memref<10x8x256xf32, #tpu.memory_space<vmem>>
      %dma_wait3A_280 = arith.constant 0 : i32
      %dma_wait3A_281 = arith.constant 0 : i32
      %dma_wait3A_282 = arith.constant 0 : i32
      %dma_wait3A_283 = tpu.memref_slice %arg2[%dma_wait3A_260, %dma_wait3A_280, %dma_wait3A_281, %dma_wait3A_282] : memref<16x10x512x512xf32, #tpu.memory_space<hbm>> -> memref<1x10x8x256xf32, #tpu.memory_space<hbm>>
      %dma_wait3A_284 = tpu.memref_squeeze %dma_wait3A_283 : memref<1x10x8x256xf32, #tpu.memory_space<hbm>> -> memref<10x8x256xf32, #tpu.memory_space<hbm>>
      tpu.wait_dma2 semaphore(%dma_wait3A_274 : memref<!tpu.dma_semaphore, #tpu.memory_space<semaphore_mem>>) src(%dma_wait3A_284 : memref<10x8x256xf32, #tpu.memory_space<hbm>>) dst(%dma_wait3A_279 : memref<10x8x256xf32, #tpu.memory_space<vmem>>)
      %ge3A_285 = arith.constant 2 : i32
      %ge3A_286 = arith.cmpi sge, %add3A_252, %ge3A_285 : i32
      %convert_element_type3A_287 = arith.extui %ge3A_286 : i1 to i32
      %cond3A_288 = arith.constant 0 : i32
      %cond3A_289 = arith.cmpi ne, %convert_element_type3A_287, %cond3A_288 : i32
      scf.if %cond3A_289 {
        %dma_wait3A_693 = arith.constant 1 : i32
        %dma_wait3A_694 = arith.constant 0 : i32
        %dma_wait3A_695 = arith.constant 1 : i32
        %dma_wait3A_696 = arith.constant 0 : i32
        %dma_wait3A_697 = arith.constant 0 : i32
        %dma_wait3A_698 = arith.constant 0 : i32
        %dma_wait3A_699 = tpu.memref_slice %arg5[%dma_wait3A_693, %dma_wait3A_696, %dma_wait3A_697, %dma_wait3A_698] : memref<2x8x8x256xf32, #tpu.memory_space<vmem>> -> memref<1x8x8x256xf32, #tpu.memory_space<vmem>>
        %dma_wait3A_700 = tpu.memref_squeeze %dma_wait3A_699 : memref<1x8x8x256xf32, #tpu.memory_space<vmem>> -> memref<8x8x256xf32, #tpu.memory_space<vmem>>
        %dma_wait3A_701 = arith.constant 0 : i32
        %dma_wait3A_702 = arith.constant 0 : i32
        %dma_wait3A_703 = arith.constant 0 : i32
        %dma_wait3A_704 = tpu.memref_slice %arg3[%dma_wait3A_694, %dma_wait3A_701, %dma_wait3A_702, %dma_wait3A_703] : memref<16x8x512x512xf32, #tpu.memory_space<hbm>> -> memref<1x8x8x256xf32, #tpu.memory_space<hbm>>
        %dma_wait3A_705 = tpu.memref_squeeze %dma_wait3A_704 : memref<1x8x8x256xf32, #tpu.memory_space<hbm>> -> memref<8x8x256xf32, #tpu.memory_space<hbm>>
        %dma_wait3A_706 = tpu.memref_slice %arg7[%dma_wait3A_695] : memref<2x!tpu.dma_semaphore, #tpu.memory_space<semaphore_mem>> -> memref<1x!tpu.dma_semaphore, #tpu.memory_space<semaphore_mem>>
        %dma_wait3A_707 = tpu.memref_squeeze %dma_wait3A_706 : memref<1x!tpu.dma_semaphore, #tpu.memory_space<semaphore_mem>> -> memref<!tpu.dma_semaphore, #tpu.memory_space<semaphore_mem>>
        %dma_wait3A_708 = arith.constant 0 : i32
        %dma_wait3A_709 = arith.constant 0 : i32
        %dma_wait3A_710 = arith.constant 0 : i32
        %dma_wait3A_711 = tpu.memref_slice %arg3[%dma_wait3A_694, %dma_wait3A_708, %dma_wait3A_709, %dma_wait3A_710] : memref<16x8x512x512xf32, #tpu.memory_space<hbm>> -> memref<1x8x8x256xf32, #tpu.memory_space<hbm>>
        %dma_wait3A_712 = tpu.memref_squeeze %dma_wait3A_711 : memref<1x8x8x256xf32, #tpu.memory_space<hbm>> -> memref<8x8x256xf32, #tpu.memory_space<hbm>>
        %dma_wait3A_713 = arith.constant 0 : i32
        %dma_wait3A_714 = arith.constant 0 : i32
        %dma_wait3A_715 = arith.constant 0 : i32
        %dma_wait3A_716 = tpu.memref_slice %arg5[%dma_wait3A_693, %dma_wait3A_713, %dma_wait3A_714, %dma_wait3A_715] : memref<2x8x8x256xf32, #tpu.memory_space<vmem>> -> memref<1x8x8x256xf32, #tpu.memory_space<vmem>>
        %dma_wait3A_717 = tpu.memref_squeeze %dma_wait3A_716 : memref<1x8x8x256xf32, #tpu.memory_space<vmem>> -> memref<8x8x256xf32, #tpu.memory_space<vmem>>
        tpu.wait_dma2 semaphore(%dma_wait3A_707 : memref<!tpu.dma_semaphore, #tpu.memory_space<semaphore_mem>>) src(%dma_wait3A_717 : memref<8x8x256xf32, #tpu.memory_space<vmem>>) dst(%dma_wait3A_712 : memref<8x8x256xf32, #tpu.memory_space<hbm>>)
      } else {
      }
      %jit3A_290 = arith.constant 4 : i32
      %div3A_291 = arith.divsi %add3A_252, %jit3A_290 : i32
      %sign3A_292 = arith.constant 0 : i32
      %sign3A_293 = arith.cmpi sgt, %add3A_252, %sign3A_292 : i32
      %sign3A_294 = arith.extui %sign3A_293 : i1 to i32
      %sign3A_295 = arith.constant 0 : i32
      %sign3A_296 = arith.cmpi slt, %add3A_252, %sign3A_295 : i32
      %sign3A_297 = arith.extui %sign3A_296 : i1 to i32
      %sign3A_298 = arith.subi %sign3A_294, %sign3A_297 : i32
      %sign3A_299 = arith.constant 0 : i32
      %sign3A_300 = arith.cmpi sgt, %jit3A_290, %sign3A_299 : i32
      %sign3A_301 = arith.extui %sign3A_300 : i1 to i32
      %sign3A_302 = arith.constant 0 : i32
      %sign3A_303 = arith.cmpi slt, %jit3A_290, %sign3A_302 : i32
      %sign3A_304 = arith.extui %sign3A_303 : i1 to i32
      %sign3A_305 = arith.subi %sign3A_301, %sign3A_304 : i32
      %ne3A_306 = arith.cmpi ne, %sign3A_298, %sign3A_305 : i32
      %rem3A_307 = arith.remsi %add3A_252, %jit3A_290 : i32
      %ne3A_308 = arith.constant 0 : i32
      %ne3A_309 = arith.cmpi ne, %rem3A_307, %ne3A_308 : i32
      %and3A_310 = arith.andi %ne3A_306, %ne3A_309 : i1
      %sub3A_311 = arith.constant 1 : i32
      %sub3A_312 = arith.subi %div3A_291, %sub3A_311 : i32
      %select_n3A_313 = arith.select %and3A_310, %sub3A_312, %div3A_291 : i32
      %jit3A_314 = arith.constant 4 : i32
      %eq3A_315 = arith.constant 0 : i32
      %eq3A_316 = arith.cmpi eq, %jit3A_314, %eq3A_315 : i32
      %jit3A_317 = arith.constant 1 : i32
      %select_n3A_318 = arith.select %eq3A_316, %jit3A_317, %jit3A_314 : i32
      %rem3A_319 = arith.remsi %add3A_252, %select_n3A_318 : i32
      %ne3A_320 = arith.constant 0 : i32
      %ne3A_321 = arith.cmpi ne, %rem3A_319, %ne3A_320 : i32
      %lt3A_322 = arith.constant 0 : i32
      %lt3A_323 = arith.cmpi slt, %rem3A_319, %lt3A_322 : i32
      %lt3A_324 = arith.constant 0 : i32
      %lt3A_325 = arith.cmpi slt, %select_n3A_318, %lt3A_324 : i32
      %ne3A_326 = arith.xori %lt3A_323, %lt3A_325 : i1
      %and3A_327 = arith.andi %ne3A_326, %ne3A_321 : i1
      %add3A_328 = arith.addi %rem3A_319, %select_n3A_318 : i32
      %select_n3A_329 = arith.select %and3A_327, %add3A_328, %rem3A_319 : i32
      %mul3A_330 = arith.constant 2 : i32
      %mul3A_331 = arith.muli %add3A, %mul3A_330 : i32
      %jit3A_332 = arith.constant 2 : i32
      %div3A_333 = arith.divsi %select_n3A_329, %jit3A_332 : i32
      %sign3A_334 = arith.constant 0 : i32
      %sign3A_335 = arith.cmpi sgt, %select_n3A_329, %sign3A_334 : i32
      %sign3A_336 = arith.extui %sign3A_335 : i1 to i32
      %sign3A_337 = arith.constant 0 : i32
      %sign3A_338 = arith.cmpi slt, %select_n3A_329, %sign3A_337 : i32
      %sign3A_339 = arith.extui %sign3A_338 : i1 to i32
      %sign3A_340 = arith.subi %sign3A_336, %sign3A_339 : i32
      %sign3A_341 = arith.constant 0 : i32
      %sign3A_342 = arith.cmpi sgt, %jit3A_332, %sign3A_341 : i32
      %sign3A_343 = arith.extui %sign3A_342 : i1 to i32
      %sign3A_344 = arith.constant 0 : i32
      %sign3A_345 = arith.cmpi slt, %jit3A_332, %sign3A_344 : i32
      %sign3A_346 = arith.extui %sign3A_345 : i1 to i32
      %sign3A_347 = arith.subi %sign3A_343, %sign3A_346 : i32
      %ne3A_348 = arith.cmpi ne, %sign3A_340, %sign3A_347 : i32
      %rem3A_349 = arith.remsi %select_n3A_329, %jit3A_332 : i32
      %ne3A_350 = arith.constant 0 : i32
      %ne3A_351 = arith.cmpi ne, %rem3A_349, %ne3A_350 : i32
      %and3A_352 = arith.andi %ne3A_348, %ne3A_351 : i1
      %sub3A_353 = arith.constant 1 : i32
      %sub3A_354 = arith.subi %div3A_333, %sub3A_353 : i32
      %select_n3A_355 = arith.select %and3A_352, %sub3A_354, %div3A_333 : i32
      %add3A_356 = arith.addi %mul3A_331, %select_n3A_355 : i32
      %mul3A_357 = arith.constant 8 : i32
      %mul3A_358 = arith.muli %add3A_356, %mul3A_357 : i32
      %jit3A_359 = arith.constant 2 : i32
      %eq3A_360 = arith.constant 0 : i32
      %eq3A_361 = arith.cmpi eq, %jit3A_359, %eq3A_360 : i32
      %jit3A_362 = arith.constant 1 : i32
      %select_n3A_363 = arith.select %eq3A_361, %jit3A_362, %jit3A_359 : i32
      %rem3A_364 = arith.remsi %select_n3A_329, %select_n3A_363 : i32
      %ne3A_365 = arith.constant 0 : i32
      %ne3A_366 = arith.cmpi ne, %rem3A_364, %ne3A_365 : i32
      %lt3A_367 = arith.constant 0 : i32
      %lt3A_368 = arith.cmpi slt, %rem3A_364, %lt3A_367 : i32
      %lt3A_369 = arith.constant 0 : i32
      %lt3A_370 = arith.cmpi slt, %select_n3A_363, %lt3A_369 : i32
      %ne3A_371 = arith.xori %lt3A_368, %lt3A_370 : i1
      %and3A_372 = arith.andi %ne3A_371, %ne3A_366 : i1
      %add3A_373 = arith.addi %rem3A_364, %select_n3A_363 : i32
      %select_n3A_374 = arith.select %and3A_372, %add3A_373, %rem3A_364 : i32
      %mul3A_375 = arith.constant 256 : i32
      %mul3A_376 = arith.muli %select_n3A_374, %mul3A_375 : i32
      %dma_start3A_377 = arith.constant 1 : i32
      %dma_start3A_378 = arith.constant 1 : i32
      %dma_start3A_379 = arith.constant 0 : i32
      %dma_start3A_380 = arith.constant 0 : i32
      %dma_start3A_381 = arith.constant 0 : i32
      %dma_start3A_382 = tpu.memref_slice %arg5[%dma_start3A_377, %dma_start3A_379, %dma_start3A_380, %dma_start3A_381] : memref<2x8x8x256xf32, #tpu.memory_space<vmem>> -> memref<1x8x8x256xf32, #tpu.memory_space<vmem>>
      %dma_start3A_383 = tpu.memref_squeeze %dma_start3A_382 : memref<1x8x8x256xf32, #tpu.memory_space<vmem>> -> memref<8x8x256xf32, #tpu.memory_space<vmem>>
      %dma_start3A_384 = arith.constant 0 : i32
      %dma_start3A_385 = tpu.memref_slice %arg3[%select_n3A_313, %dma_start3A_384, %mul3A_358, %mul3A_376] : memref<16x8x512x512xf32, #tpu.memory_space<hbm>> -> memref<1x8x8x256xf32, #tpu.memory_space<hbm>>
      %dma_start3A_386 = tpu.memref_squeeze %dma_start3A_385 : memref<1x8x8x256xf32, #tpu.memory_space<hbm>> -> memref<8x8x256xf32, #tpu.memory_space<hbm>>
      %dma_start3A_387 = tpu.memref_slice %arg7[%dma_start3A_378] : memref<2x!tpu.dma_semaphore, #tpu.memory_space<semaphore_mem>> -> memref<1x!tpu.dma_semaphore, #tpu.memory_space<semaphore_mem>>
      %dma_start3A_388 = tpu.memref_squeeze %dma_start3A_387 : memref<1x!tpu.dma_semaphore, #tpu.memory_space<semaphore_mem>> -> memref<!tpu.dma_semaphore, #tpu.memory_space<semaphore_mem>>
      %dma_start3A_389 = arith.constant 0 : i32
      %dma_start3A_390 = tpu.memref_slice %arg3[%select_n3A_313, %dma_start3A_389, %mul3A_358, %mul3A_376] : memref<16x8x512x512xf32, #tpu.memory_space<hbm>> -> memref<1x8x8x256xf32, #tpu.memory_space<hbm>>
      %dma_start3A_391 = tpu.memref_squeeze %dma_start3A_390 : memref<1x8x8x256xf32, #tpu.memory_space<hbm>> -> memref<8x8x256xf32, #tpu.memory_space<hbm>>
      %dma_start3A_392 = arith.constant 0 : i32
      %dma_start3A_393 = arith.constant 0 : i32
      %dma_start3A_394 = arith.constant 0 : i32
      %dma_start3A_395 = tpu.memref_slice %arg5[%dma_start3A_377, %dma_start3A_392, %dma_start3A_393, %dma_start3A_394] : memref<2x8x8x256xf32, #tpu.memory_space<vmem>> -> memref<1x8x8x256xf32, #tpu.memory_space<vmem>>
      %dma_start3A_396 = tpu.memref_squeeze %dma_start3A_395 : memref<1x8x8x256xf32, #tpu.memory_space<vmem>> -> memref<8x8x256xf32, #tpu.memory_space<vmem>>
      tpu.enqueue_dma source(%dma_start3A_396 : memref<8x8x256xf32, #tpu.memory_space<vmem>>) target(%dma_start3A_391 : memref<8x8x256xf32, #tpu.memory_space<hbm>>) target_semaphore(%dma_start3A_388 : memref<!tpu.dma_semaphore, #tpu.memory_space<semaphore_mem>>)
      %mul3A_397 = arith.constant 4 : i32
      %mul3A_398 = arith.muli %scan3A_113, %mul3A_397 : i32
      %add3A_399 = arith.constant 2 : i32
      %add3A_400 = arith.addi %mul3A_398, %add3A_399 : i32
      %add3A_401 = arith.constant 2 : i32
      %add3A_402 = arith.addi %add3A_400, %add3A_401 : i32
      %lt3A_403 = arith.constant 64 : i32
      %lt3A_404 = arith.cmpi slt, %add3A_402, %lt3A_403 : i32
      %convert_element_type3A_405 = arith.extui %lt3A_404 : i1 to i32
      %cond3A_406 = arith.constant 0 : i32
      %cond3A_407 = arith.cmpi ne, %convert_element_type3A_405, %cond3A_406 : i32
      scf.if %cond3A_407 {
        %add3A_693 = arith.constant 2 : i32
        %add3A_694 = arith.addi %add3A_400, %add3A_693 : i32
        %jit3A_695 = arith.constant 4 : i32
        %div3A_696 = arith.divsi %add3A_694, %jit3A_695 : i32
        %sign3A_697 = arith.constant 0 : i32
        %sign3A_698 = arith.cmpi sgt, %add3A_694, %sign3A_697 : i32
        %sign3A_699 = arith.extui %sign3A_698 : i1 to i32
        %sign3A_700 = arith.constant 0 : i32
        %sign3A_701 = arith.cmpi slt, %add3A_694, %sign3A_700 : i32
        %sign3A_702 = arith.extui %sign3A_701 : i1 to i32
        %sign3A_703 = arith.subi %sign3A_699, %sign3A_702 : i32
        %sign3A_704 = arith.constant 0 : i32
        %sign3A_705 = arith.cmpi sgt, %jit3A_695, %sign3A_704 : i32
        %sign3A_706 = arith.extui %sign3A_705 : i1 to i32
        %sign3A_707 = arith.constant 0 : i32
        %sign3A_708 = arith.cmpi slt, %jit3A_695, %sign3A_707 : i32
        %sign3A_709 = arith.extui %sign3A_708 : i1 to i32
        %sign3A_710 = arith.subi %sign3A_706, %sign3A_709 : i32
        %ne3A_711 = arith.cmpi ne, %sign3A_703, %sign3A_710 : i32
        %rem3A_712 = arith.remsi %add3A_694, %jit3A_695 : i32
        %ne3A_713 = arith.constant 0 : i32
        %ne3A_714 = arith.cmpi ne, %rem3A_712, %ne3A_713 : i32
        %and3A_715 = arith.andi %ne3A_711, %ne3A_714 : i1
        %sub3A_716 = arith.constant 1 : i32
        %sub3A_717 = arith.subi %div3A_696, %sub3A_716 : i32
        %select_n3A_718 = arith.select %and3A_715, %sub3A_717, %div3A_696 : i32
        %jit3A_719 = arith.constant 4 : i32
        %eq3A_720 = arith.constant 0 : i32
        %eq3A_721 = arith.cmpi eq, %jit3A_719, %eq3A_720 : i32
        %jit3A_722 = arith.constant 1 : i32
        %select_n3A_723 = arith.select %eq3A_721, %jit3A_722, %jit3A_719 : i32
        %rem3A_724 = arith.remsi %add3A_694, %select_n3A_723 : i32
        %ne3A_725 = arith.constant 0 : i32
        %ne3A_726 = arith.cmpi ne, %rem3A_724, %ne3A_725 : i32
        %lt3A_727 = arith.constant 0 : i32
        %lt3A_728 = arith.cmpi slt, %rem3A_724, %lt3A_727 : i32
        %lt3A_729 = arith.constant 0 : i32
        %lt3A_730 = arith.cmpi slt, %select_n3A_723, %lt3A_729 : i32
        %ne3A_731 = arith.xori %lt3A_728, %lt3A_730 : i1
        %and3A_732 = arith.andi %ne3A_731, %ne3A_726 : i1
        %add3A_733 = arith.addi %rem3A_724, %select_n3A_723 : i32
        %select_n3A_734 = arith.select %and3A_732, %add3A_733, %rem3A_724 : i32
        %mul3A_735 = arith.constant 2 : i32
        %mul3A_736 = arith.muli %add3A, %mul3A_735 : i32
        %jit3A_737 = arith.constant 2 : i32
        %div3A_738 = arith.divsi %select_n3A_734, %jit3A_737 : i32
        %sign3A_739 = arith.constant 0 : i32
        %sign3A_740 = arith.cmpi sgt, %select_n3A_734, %sign3A_739 : i32
        %sign3A_741 = arith.extui %sign3A_740 : i1 to i32
        %sign3A_742 = arith.constant 0 : i32
        %sign3A_743 = arith.cmpi slt, %select_n3A_734, %sign3A_742 : i32
        %sign3A_744 = arith.extui %sign3A_743 : i1 to i32
        %sign3A_745 = arith.subi %sign3A_741, %sign3A_744 : i32
        %sign3A_746 = arith.constant 0 : i32
        %sign3A_747 = arith.cmpi sgt, %jit3A_737, %sign3A_746 : i32
        %sign3A_748 = arith.extui %sign3A_747 : i1 to i32
        %sign3A_749 = arith.constant 0 : i32
        %sign3A_750 = arith.cmpi slt, %jit3A_737, %sign3A_749 : i32
        %sign3A_751 = arith.extui %sign3A_750 : i1 to i32
        %sign3A_752 = arith.subi %sign3A_748, %sign3A_751 : i32
        %ne3A_753 = arith.cmpi ne, %sign3A_745, %sign3A_752 : i32
        %rem3A_754 = arith.remsi %select_n3A_734, %jit3A_737 : i32
        %ne3A_755 = arith.constant 0 : i32
        %ne3A_756 = arith.cmpi ne, %rem3A_754, %ne3A_755 : i32
        %and3A_757 = arith.andi %ne3A_753, %ne3A_756 : i1
        %sub3A_758 = arith.constant 1 : i32
        %sub3A_759 = arith.subi %div3A_738, %sub3A_758 : i32
        %select_n3A_760 = arith.select %and3A_757, %sub3A_759, %div3A_738 : i32
        %add3A_761 = arith.addi %mul3A_736, %select_n3A_760 : i32
        %mul3A_762 = arith.constant 8 : i32
        %mul3A_763 = arith.muli %add3A_761, %mul3A_762 : i32
        %jit3A_764 = arith.constant 2 : i32
        %eq3A_765 = arith.constant 0 : i32
        %eq3A_766 = arith.cmpi eq, %jit3A_764, %eq3A_765 : i32
        %jit3A_767 = arith.constant 1 : i32
        %select_n3A_768 = arith.select %eq3A_766, %jit3A_767, %jit3A_764 : i32
        %rem3A_769 = arith.remsi %select_n3A_734, %select_n3A_768 : i32
        %ne3A_770 = arith.constant 0 : i32
        %ne3A_771 = arith.cmpi ne, %rem3A_769, %ne3A_770 : i32
        %lt3A_772 = arith.constant 0 : i32
        %lt3A_773 = arith.cmpi slt, %rem3A_769, %lt3A_772 : i32
        %lt3A_774 = arith.constant 0 : i32
        %lt3A_775 = arith.cmpi slt, %select_n3A_768, %lt3A_774 : i32
        %ne3A_776 = arith.xori %lt3A_773, %lt3A_775 : i1
        %and3A_777 = arith.andi %ne3A_776, %ne3A_771 : i1
        %add3A_778 = arith.addi %rem3A_769, %select_n3A_768 : i32
        %select_n3A_779 = arith.select %and3A_777, %add3A_778, %rem3A_769 : i32
        %mul3A_780 = arith.constant 256 : i32
        %mul3A_781 = arith.muli %select_n3A_779, %mul3A_780 : i32
        %dma_start3A_782 = arith.constant 0 : i32
        %dma_start3A_783 = arith.constant 0 : i32
        %dma_start3A_784 = arith.constant 0 : i32
        %dma_start3A_785 = arith.constant 0 : i32
        %dma_start3A_786 = arith.constant 0 : i32
        %dma_start3A_787 = tpu.memref_slice %arg4[%dma_start3A_782, %dma_start3A_784, %dma_start3A_785, %dma_start3A_786] : memref<4x10x8x256xf32, #tpu.memory_space<vmem>> -> memref<1x10x8x256xf32, #tpu.memory_space<vmem>>
        %dma_start3A_788 = tpu.memref_squeeze %dma_start3A_787 : memref<1x10x8x256xf32, #tpu.memory_space<vmem>> -> memref<10x8x256xf32, #tpu.memory_space<vmem>>
        %dma_start3A_789 = arith.constant 0 : i32
        %dma_start3A_790 = tpu.memref_slice %arg2[%select_n3A_718, %dma_start3A_789, %mul3A_763, %mul3A_781] : memref<16x10x512x512xf32, #tpu.memory_space<hbm>> -> memref<1x10x8x256xf32, #tpu.memory_space<hbm>>
        %dma_start3A_791 = tpu.memref_squeeze %dma_start3A_790 : memref<1x10x8x256xf32, #tpu.memory_space<hbm>> -> memref<10x8x256xf32, #tpu.memory_space<hbm>>
        %dma_start3A_792 = tpu.memref_slice %arg6[%dma_start3A_783] : memref<4x!tpu.dma_semaphore, #tpu.memory_space<semaphore_mem>> -> memref<1x!tpu.dma_semaphore, #tpu.memory_space<semaphore_mem>>
        %dma_start3A_793 = tpu.memref_squeeze %dma_start3A_792 : memref<1x!tpu.dma_semaphore, #tpu.memory_space<semaphore_mem>> -> memref<!tpu.dma_semaphore, #tpu.memory_space<semaphore_mem>>
        %dma_start3A_794 = arith.constant 0 : i32
        %dma_start3A_795 = arith.constant 0 : i32
        %dma_start3A_796 = arith.constant 0 : i32
        %dma_start3A_797 = tpu.memref_slice %arg4[%dma_start3A_782, %dma_start3A_794, %dma_start3A_795, %dma_start3A_796] : memref<4x10x8x256xf32, #tpu.memory_space<vmem>> -> memref<1x10x8x256xf32, #tpu.memory_space<vmem>>
        %dma_start3A_798 = tpu.memref_squeeze %dma_start3A_797 : memref<1x10x8x256xf32, #tpu.memory_space<vmem>> -> memref<10x8x256xf32, #tpu.memory_space<vmem>>
        %dma_start3A_799 = arith.constant 0 : i32
        %dma_start3A_800 = tpu.memref_slice %arg2[%select_n3A_718, %dma_start3A_799, %mul3A_763, %mul3A_781] : memref<16x10x512x512xf32, #tpu.memory_space<hbm>> -> memref<1x10x8x256xf32, #tpu.memory_space<hbm>>
        %dma_start3A_801 = tpu.memref_squeeze %dma_start3A_800 : memref<1x10x8x256xf32, #tpu.memory_space<hbm>> -> memref<10x8x256xf32, #tpu.memory_space<hbm>>
        tpu.enqueue_dma source(%dma_start3A_801 : memref<10x8x256xf32, #tpu.memory_space<hbm>>) target(%dma_start3A_798 : memref<10x8x256xf32, #tpu.memory_space<vmem>>) target_semaphore(%dma_start3A_793 : memref<!tpu.dma_semaphore, #tpu.memory_space<semaphore_mem>>)
      } else {
      }
      %dma_wait3A_408 = arith.constant 0 : i32
      %dma_wait3A_409 = arith.constant 2 : i32
      %dma_wait3A_410 = arith.constant 2 : i32
      %dma_wait3A_411 = arith.constant 0 : i32
      %dma_wait3A_412 = arith.constant 0 : i32
      %dma_wait3A_413 = arith.constant 0 : i32
      %dma_wait3A_414 = tpu.memref_slice %arg4[%dma_wait3A_409, %dma_wait3A_411, %dma_wait3A_412, %dma_wait3A_413] : memref<4x10x8x256xf32, #tpu.memory_space<vmem>> -> memref<1x10x8x256xf32, #tpu.memory_space<vmem>>
      %dma_wait3A_415 = tpu.memref_squeeze %dma_wait3A_414 : memref<1x10x8x256xf32, #tpu.memory_space<vmem>> -> memref<10x8x256xf32, #tpu.memory_space<vmem>>
      %dma_wait3A_416 = arith.constant 0 : i32
      %dma_wait3A_417 = arith.constant 0 : i32
      %dma_wait3A_418 = arith.constant 0 : i32
      %dma_wait3A_419 = tpu.memref_slice %arg2[%dma_wait3A_408, %dma_wait3A_416, %dma_wait3A_417, %dma_wait3A_418] : memref<16x10x512x512xf32, #tpu.memory_space<hbm>> -> memref<1x10x8x256xf32, #tpu.memory_space<hbm>>
      %dma_wait3A_420 = tpu.memref_squeeze %dma_wait3A_419 : memref<1x10x8x256xf32, #tpu.memory_space<hbm>> -> memref<10x8x256xf32, #tpu.memory_space<hbm>>
      %dma_wait3A_421 = tpu.memref_slice %arg6[%dma_wait3A_410] : memref<4x!tpu.dma_semaphore, #tpu.memory_space<semaphore_mem>> -> memref<1x!tpu.dma_semaphore, #tpu.memory_space<semaphore_mem>>
      %dma_wait3A_422 = tpu.memref_squeeze %dma_wait3A_421 : memref<1x!tpu.dma_semaphore, #tpu.memory_space<semaphore_mem>> -> memref<!tpu.dma_semaphore, #tpu.memory_space<semaphore_mem>>
      %dma_wait3A_423 = arith.constant 0 : i32
      %dma_wait3A_424 = arith.constant 0 : i32
      %dma_wait3A_425 = arith.constant 0 : i32
      %dma_wait3A_426 = tpu.memref_slice %arg4[%dma_wait3A_409, %dma_wait3A_423, %dma_wait3A_424, %dma_wait3A_425] : memref<4x10x8x256xf32, #tpu.memory_space<vmem>> -> memref<1x10x8x256xf32, #tpu.memory_space<vmem>>
      %dma_wait3A_427 = tpu.memref_squeeze %dma_wait3A_426 : memref<1x10x8x256xf32, #tpu.memory_space<vmem>> -> memref<10x8x256xf32, #tpu.memory_space<vmem>>
      %dma_wait3A_428 = arith.constant 0 : i32
      %dma_wait3A_429 = arith.constant 0 : i32
      %dma_wait3A_430 = arith.constant 0 : i32
      %dma_wait3A_431 = tpu.memref_slice %arg2[%dma_wait3A_408, %dma_wait3A_428, %dma_wait3A_429, %dma_wait3A_430] : memref<16x10x512x512xf32, #tpu.memory_space<hbm>> -> memref<1x10x8x256xf32, #tpu.memory_space<hbm>>
      %dma_wait3A_432 = tpu.memref_squeeze %dma_wait3A_431 : memref<1x10x8x256xf32, #tpu.memory_space<hbm>> -> memref<10x8x256xf32, #tpu.memory_space<hbm>>
      tpu.wait_dma2 semaphore(%dma_wait3A_422 : memref<!tpu.dma_semaphore, #tpu.memory_space<semaphore_mem>>) src(%dma_wait3A_432 : memref<10x8x256xf32, #tpu.memory_space<hbm>>) dst(%dma_wait3A_427 : memref<10x8x256xf32, #tpu.memory_space<vmem>>)
      %ge3A_433 = arith.constant 2 : i32
      %ge3A_434 = arith.cmpi sge, %add3A_400, %ge3A_433 : i32
      %convert_element_type3A_435 = arith.extui %ge3A_434 : i1 to i32
      %cond3A_436 = arith.constant 0 : i32
      %cond3A_437 = arith.cmpi ne, %convert_element_type3A_435, %cond3A_436 : i32
      scf.if %cond3A_437 {
        %dma_wait3A_693 = arith.constant 0 : i32
        %dma_wait3A_694 = arith.constant 0 : i32
        %dma_wait3A_695 = arith.constant 0 : i32
        %dma_wait3A_696 = arith.constant 0 : i32
        %dma_wait3A_697 = arith.constant 0 : i32
        %dma_wait3A_698 = arith.constant 0 : i32
        %dma_wait3A_699 = tpu.memref_slice %arg5[%dma_wait3A_693, %dma_wait3A_696, %dma_wait3A_697, %dma_wait3A_698] : memref<2x8x8x256xf32, #tpu.memory_space<vmem>> -> memref<1x8x8x256xf32, #tpu.memory_space<vmem>>
        %dma_wait3A_700 = tpu.memref_squeeze %dma_wait3A_699 : memref<1x8x8x256xf32, #tpu.memory_space<vmem>> -> memref<8x8x256xf32, #tpu.memory_space<vmem>>
        %dma_wait3A_701 = arith.constant 0 : i32
        %dma_wait3A_702 = arith.constant 0 : i32
        %dma_wait3A_703 = arith.constant 0 : i32
        %dma_wait3A_704 = tpu.memref_slice %arg3[%dma_wait3A_694, %dma_wait3A_701, %dma_wait3A_702, %dma_wait3A_703] : memref<16x8x512x512xf32, #tpu.memory_space<hbm>> -> memref<1x8x8x256xf32, #tpu.memory_space<hbm>>
        %dma_wait3A_705 = tpu.memref_squeeze %dma_wait3A_704 : memref<1x8x8x256xf32, #tpu.memory_space<hbm>> -> memref<8x8x256xf32, #tpu.memory_space<hbm>>
        %dma_wait3A_706 = tpu.memref_slice %arg7[%dma_wait3A_695] : memref<2x!tpu.dma_semaphore, #tpu.memory_space<semaphore_mem>> -> memref<1x!tpu.dma_semaphore, #tpu.memory_space<semaphore_mem>>
        %dma_wait3A_707 = tpu.memref_squeeze %dma_wait3A_706 : memref<1x!tpu.dma_semaphore, #tpu.memory_space<semaphore_mem>> -> memref<!tpu.dma_semaphore, #tpu.memory_space<semaphore_mem>>
        %dma_wait3A_708 = arith.constant 0 : i32
        %dma_wait3A_709 = arith.constant 0 : i32
        %dma_wait3A_710 = arith.constant 0 : i32
        %dma_wait3A_711 = tpu.memref_slice %arg3[%dma_wait3A_694, %dma_wait3A_708, %dma_wait3A_709, %dma_wait3A_710] : memref<16x8x512x512xf32, #tpu.memory_space<hbm>> -> memref<1x8x8x256xf32, #tpu.memory_space<hbm>>
        %dma_wait3A_712 = tpu.memref_squeeze %dma_wait3A_711 : memref<1x8x8x256xf32, #tpu.memory_space<hbm>> -> memref<8x8x256xf32, #tpu.memory_space<hbm>>
        %dma_wait3A_713 = arith.constant 0 : i32
        %dma_wait3A_714 = arith.constant 0 : i32
        %dma_wait3A_715 = arith.constant 0 : i32
        %dma_wait3A_716 = tpu.memref_slice %arg5[%dma_wait3A_693, %dma_wait3A_713, %dma_wait3A_714, %dma_wait3A_715] : memref<2x8x8x256xf32, #tpu.memory_space<vmem>> -> memref<1x8x8x256xf32, #tpu.memory_space<vmem>>
        %dma_wait3A_717 = tpu.memref_squeeze %dma_wait3A_716 : memref<1x8x8x256xf32, #tpu.memory_space<vmem>> -> memref<8x8x256xf32, #tpu.memory_space<vmem>>
        tpu.wait_dma2 semaphore(%dma_wait3A_707 : memref<!tpu.dma_semaphore, #tpu.memory_space<semaphore_mem>>) src(%dma_wait3A_717 : memref<8x8x256xf32, #tpu.memory_space<vmem>>) dst(%dma_wait3A_712 : memref<8x8x256xf32, #tpu.memory_space<hbm>>)
      } else {
      }
      %jit3A_438 = arith.constant 4 : i32
      %div3A_439 = arith.divsi %add3A_400, %jit3A_438 : i32
      %sign3A_440 = arith.constant 0 : i32
      %sign3A_441 = arith.cmpi sgt, %add3A_400, %sign3A_440 : i32
      %sign3A_442 = arith.extui %sign3A_441 : i1 to i32
      %sign3A_443 = arith.constant 0 : i32
      %sign3A_444 = arith.cmpi slt, %add3A_400, %sign3A_443 : i32
      %sign3A_445 = arith.extui %sign3A_444 : i1 to i32
      %sign3A_446 = arith.subi %sign3A_442, %sign3A_445 : i32
      %sign3A_447 = arith.constant 0 : i32
      %sign3A_448 = arith.cmpi sgt, %jit3A_438, %sign3A_447 : i32
      %sign3A_449 = arith.extui %sign3A_448 : i1 to i32
      %sign3A_450 = arith.constant 0 : i32
      %sign3A_451 = arith.cmpi slt, %jit3A_438, %sign3A_450 : i32
      %sign3A_452 = arith.extui %sign3A_451 : i1 to i32
      %sign3A_453 = arith.subi %sign3A_449, %sign3A_452 : i32
      %ne3A_454 = arith.cmpi ne, %sign3A_446, %sign3A_453 : i32
      %rem3A_455 = arith.remsi %add3A_400, %jit3A_438 : i32
      %ne3A_456 = arith.constant 0 : i32
      %ne3A_457 = arith.cmpi ne, %rem3A_455, %ne3A_456 : i32
      %and3A_458 = arith.andi %ne3A_454, %ne3A_457 : i1
      %sub3A_459 = arith.constant 1 : i32
      %sub3A_460 = arith.subi %div3A_439, %sub3A_459 : i32
      %select_n3A_461 = arith.select %and3A_458, %sub3A_460, %div3A_439 : i32
      %jit3A_462 = arith.constant 4 : i32
      %eq3A_463 = arith.constant 0 : i32
      %eq3A_464 = arith.cmpi eq, %jit3A_462, %eq3A_463 : i32
      %jit3A_465 = arith.constant 1 : i32
      %select_n3A_466 = arith.select %eq3A_464, %jit3A_465, %jit3A_462 : i32
      %rem3A_467 = arith.remsi %add3A_400, %select_n3A_466 : i32
      %ne3A_468 = arith.constant 0 : i32
      %ne3A_469 = arith.cmpi ne, %rem3A_467, %ne3A_468 : i32
      %lt3A_470 = arith.constant 0 : i32
      %lt3A_471 = arith.cmpi slt, %rem3A_467, %lt3A_470 : i32
      %lt3A_472 = arith.constant 0 : i32
      %lt3A_473 = arith.cmpi slt, %select_n3A_466, %lt3A_472 : i32
      %ne3A_474 = arith.xori %lt3A_471, %lt3A_473 : i1
      %and3A_475 = arith.andi %ne3A_474, %ne3A_469 : i1
      %add3A_476 = arith.addi %rem3A_467, %select_n3A_466 : i32
      %select_n3A_477 = arith.select %and3A_475, %add3A_476, %rem3A_467 : i32
      %mul3A_478 = arith.constant 2 : i32
      %mul3A_479 = arith.muli %add3A, %mul3A_478 : i32
      %jit3A_480 = arith.constant 2 : i32
      %div3A_481 = arith.divsi %select_n3A_477, %jit3A_480 : i32
      %sign3A_482 = arith.constant 0 : i32
      %sign3A_483 = arith.cmpi sgt, %select_n3A_477, %sign3A_482 : i32
      %sign3A_484 = arith.extui %sign3A_483 : i1 to i32
      %sign3A_485 = arith.constant 0 : i32
      %sign3A_486 = arith.cmpi slt, %select_n3A_477, %sign3A_485 : i32
      %sign3A_487 = arith.extui %sign3A_486 : i1 to i32
      %sign3A_488 = arith.subi %sign3A_484, %sign3A_487 : i32
      %sign3A_489 = arith.constant 0 : i32
      %sign3A_490 = arith.cmpi sgt, %jit3A_480, %sign3A_489 : i32
      %sign3A_491 = arith.extui %sign3A_490 : i1 to i32
      %sign3A_492 = arith.constant 0 : i32
      %sign3A_493 = arith.cmpi slt, %jit3A_480, %sign3A_492 : i32
      %sign3A_494 = arith.extui %sign3A_493 : i1 to i32
      %sign3A_495 = arith.subi %sign3A_491, %sign3A_494 : i32
      %ne3A_496 = arith.cmpi ne, %sign3A_488, %sign3A_495 : i32
      %rem3A_497 = arith.remsi %select_n3A_477, %jit3A_480 : i32
      %ne3A_498 = arith.constant 0 : i32
      %ne3A_499 = arith.cmpi ne, %rem3A_497, %ne3A_498 : i32
      %and3A_500 = arith.andi %ne3A_496, %ne3A_499 : i1
      %sub3A_501 = arith.constant 1 : i32
      %sub3A_502 = arith.subi %div3A_481, %sub3A_501 : i32
      %select_n3A_503 = arith.select %and3A_500, %sub3A_502, %div3A_481 : i32
      %add3A_504 = arith.addi %mul3A_479, %select_n3A_503 : i32
      %mul3A_505 = arith.constant 8 : i32
      %mul3A_506 = arith.muli %add3A_504, %mul3A_505 : i32
      %jit3A_507 = arith.constant 2 : i32
      %eq3A_508 = arith.constant 0 : i32
      %eq3A_509 = arith.cmpi eq, %jit3A_507, %eq3A_508 : i32
      %jit3A_510 = arith.constant 1 : i32
      %select_n3A_511 = arith.select %eq3A_509, %jit3A_510, %jit3A_507 : i32
      %rem3A_512 = arith.remsi %select_n3A_477, %select_n3A_511 : i32
      %ne3A_513 = arith.constant 0 : i32
      %ne3A_514 = arith.cmpi ne, %rem3A_512, %ne3A_513 : i32
      %lt3A_515 = arith.constant 0 : i32
      %lt3A_516 = arith.cmpi slt, %rem3A_512, %lt3A_515 : i32
      %lt3A_517 = arith.constant 0 : i32
      %lt3A_518 = arith.cmpi slt, %select_n3A_511, %lt3A_517 : i32
      %ne3A_519 = arith.xori %lt3A_516, %lt3A_518 : i1
      %and3A_520 = arith.andi %ne3A_519, %ne3A_514 : i1
      %add3A_521 = arith.addi %rem3A_512, %select_n3A_511 : i32
      %select_n3A_522 = arith.select %and3A_520, %add3A_521, %rem3A_512 : i32
      %mul3A_523 = arith.constant 256 : i32
      %mul3A_524 = arith.muli %select_n3A_522, %mul3A_523 : i32
      %dma_start3A_525 = arith.constant 0 : i32
      %dma_start3A_526 = arith.constant 0 : i32
      %dma_start3A_527 = arith.constant 0 : i32
      %dma_start3A_528 = arith.constant 0 : i32
      %dma_start3A_529 = arith.constant 0 : i32
      %dma_start3A_530 = tpu.memref_slice %arg5[%dma_start3A_525, %dma_start3A_527, %dma_start3A_528, %dma_start3A_529] : memref<2x8x8x256xf32, #tpu.memory_space<vmem>> -> memref<1x8x8x256xf32, #tpu.memory_space<vmem>>
      %dma_start3A_531 = tpu.memref_squeeze %dma_start3A_530 : memref<1x8x8x256xf32, #tpu.memory_space<vmem>> -> memref<8x8x256xf32, #tpu.memory_space<vmem>>
      %dma_start3A_532 = arith.constant 0 : i32
      %dma_start3A_533 = tpu.memref_slice %arg3[%select_n3A_461, %dma_start3A_532, %mul3A_506, %mul3A_524] : memref<16x8x512x512xf32, #tpu.memory_space<hbm>> -> memref<1x8x8x256xf32, #tpu.memory_space<hbm>>
      %dma_start3A_534 = tpu.memref_squeeze %dma_start3A_533 : memref<1x8x8x256xf32, #tpu.memory_space<hbm>> -> memref<8x8x256xf32, #tpu.memory_space<hbm>>
      %dma_start3A_535 = tpu.memref_slice %arg7[%dma_start3A_526] : memref<2x!tpu.dma_semaphore, #tpu.memory_space<semaphore_mem>> -> memref<1x!tpu.dma_semaphore, #tpu.memory_space<semaphore_mem>>
      %dma_start3A_536 = tpu.memref_squeeze %dma_start3A_535 : memref<1x!tpu.dma_semaphore, #tpu.memory_space<semaphore_mem>> -> memref<!tpu.dma_semaphore, #tpu.memory_space<semaphore_mem>>
      %dma_start3A_537 = arith.constant 0 : i32
      %dma_start3A_538 = tpu.memref_slice %arg3[%select_n3A_461, %dma_start3A_537, %mul3A_506, %mul3A_524] : memref<16x8x512x512xf32, #tpu.memory_space<hbm>> -> memref<1x8x8x256xf32, #tpu.memory_space<hbm>>
      %dma_start3A_539 = tpu.memref_squeeze %dma_start3A_538 : memref<1x8x8x256xf32, #tpu.memory_space<hbm>> -> memref<8x8x256xf32, #tpu.memory_space<hbm>>
      %dma_start3A_540 = arith.constant 0 : i32
      %dma_start3A_541 = arith.constant 0 : i32
      %dma_start3A_542 = arith.constant 0 : i32
      %dma_start3A_543 = tpu.memref_slice %arg5[%dma_start3A_525, %dma_start3A_540, %dma_start3A_541, %dma_start3A_542] : memref<2x8x8x256xf32, #tpu.memory_space<vmem>> -> memref<1x8x8x256xf32, #tpu.memory_space<vmem>>
      %dma_start3A_544 = tpu.memref_squeeze %dma_start3A_543 : memref<1x8x8x256xf32, #tpu.memory_space<vmem>> -> memref<8x8x256xf32, #tpu.memory_space<vmem>>
      tpu.enqueue_dma source(%dma_start3A_544 : memref<8x8x256xf32, #tpu.memory_space<vmem>>) target(%dma_start3A_539 : memref<8x8x256xf32, #tpu.memory_space<hbm>>) target_semaphore(%dma_start3A_536 : memref<!tpu.dma_semaphore, #tpu.memory_space<semaphore_mem>>)
      %mul3A_545 = arith.constant 4 : i32
      %mul3A_546 = arith.muli %scan3A_113, %mul3A_545 : i32
      %add3A_547 = arith.constant 3 : i32
      %add3A_548 = arith.addi %mul3A_546, %add3A_547 : i32
      %add3A_549 = arith.constant 2 : i32
      %add3A_550 = arith.addi %add3A_548, %add3A_549 : i32
      %lt3A_551 = arith.constant 64 : i32
      %lt3A_552 = arith.cmpi slt, %add3A_550, %lt3A_551 : i32
      %convert_element_type3A_553 = arith.extui %lt3A_552 : i1 to i32
      %cond3A_554 = arith.constant 0 : i32
      %cond3A_555 = arith.cmpi ne, %convert_element_type3A_553, %cond3A_554 : i32
      scf.if %cond3A_555 {
        %add3A_693 = arith.constant 2 : i32
        %add3A_694 = arith.addi %add3A_548, %add3A_693 : i32
        %jit3A_695 = arith.constant 4 : i32
        %div3A_696 = arith.divsi %add3A_694, %jit3A_695 : i32
        %sign3A_697 = arith.constant 0 : i32
        %sign3A_698 = arith.cmpi sgt, %add3A_694, %sign3A_697 : i32
        %sign3A_699 = arith.extui %sign3A_698 : i1 to i32
        %sign3A_700 = arith.constant 0 : i32
        %sign3A_701 = arith.cmpi slt, %add3A_694, %sign3A_700 : i32
        %sign3A_702 = arith.extui %sign3A_701 : i1 to i32
        %sign3A_703 = arith.subi %sign3A_699, %sign3A_702 : i32
        %sign3A_704 = arith.constant 0 : i32
        %sign3A_705 = arith.cmpi sgt, %jit3A_695, %sign3A_704 : i32
        %sign3A_706 = arith.extui %sign3A_705 : i1 to i32
        %sign3A_707 = arith.constant 0 : i32
        %sign3A_708 = arith.cmpi slt, %jit3A_695, %sign3A_707 : i32
        %sign3A_709 = arith.extui %sign3A_708 : i1 to i32
        %sign3A_710 = arith.subi %sign3A_706, %sign3A_709 : i32
        %ne3A_711 = arith.cmpi ne, %sign3A_703, %sign3A_710 : i32
        %rem3A_712 = arith.remsi %add3A_694, %jit3A_695 : i32
        %ne3A_713 = arith.constant 0 : i32
        %ne3A_714 = arith.cmpi ne, %rem3A_712, %ne3A_713 : i32
        %and3A_715 = arith.andi %ne3A_711, %ne3A_714 : i1
        %sub3A_716 = arith.constant 1 : i32
        %sub3A_717 = arith.subi %div3A_696, %sub3A_716 : i32
        %select_n3A_718 = arith.select %and3A_715, %sub3A_717, %div3A_696 : i32
        %jit3A_719 = arith.constant 4 : i32
        %eq3A_720 = arith.constant 0 : i32
        %eq3A_721 = arith.cmpi eq, %jit3A_719, %eq3A_720 : i32
        %jit3A_722 = arith.constant 1 : i32
        %select_n3A_723 = arith.select %eq3A_721, %jit3A_722, %jit3A_719 : i32
        %rem3A_724 = arith.remsi %add3A_694, %select_n3A_723 : i32
        %ne3A_725 = arith.constant 0 : i32
        %ne3A_726 = arith.cmpi ne, %rem3A_724, %ne3A_725 : i32
        %lt3A_727 = arith.constant 0 : i32
        %lt3A_728 = arith.cmpi slt, %rem3A_724, %lt3A_727 : i32
        %lt3A_729 = arith.constant 0 : i32
        %lt3A_730 = arith.cmpi slt, %select_n3A_723, %lt3A_729 : i32
        %ne3A_731 = arith.xori %lt3A_728, %lt3A_730 : i1
        %and3A_732 = arith.andi %ne3A_731, %ne3A_726 : i1
        %add3A_733 = arith.addi %rem3A_724, %select_n3A_723 : i32
        %select_n3A_734 = arith.select %and3A_732, %add3A_733, %rem3A_724 : i32
        %mul3A_735 = arith.constant 2 : i32
        %mul3A_736 = arith.muli %add3A, %mul3A_735 : i32
        %jit3A_737 = arith.constant 2 : i32
        %div3A_738 = arith.divsi %select_n3A_734, %jit3A_737 : i32
        %sign3A_739 = arith.constant 0 : i32
        %sign3A_740 = arith.cmpi sgt, %select_n3A_734, %sign3A_739 : i32
        %sign3A_741 = arith.extui %sign3A_740 : i1 to i32
        %sign3A_742 = arith.constant 0 : i32
        %sign3A_743 = arith.cmpi slt, %select_n3A_734, %sign3A_742 : i32
        %sign3A_744 = arith.extui %sign3A_743 : i1 to i32
        %sign3A_745 = arith.subi %sign3A_741, %sign3A_744 : i32
        %sign3A_746 = arith.constant 0 : i32
        %sign3A_747 = arith.cmpi sgt, %jit3A_737, %sign3A_746 : i32
        %sign3A_748 = arith.extui %sign3A_747 : i1 to i32
        %sign3A_749 = arith.constant 0 : i32
        %sign3A_750 = arith.cmpi slt, %jit3A_737, %sign3A_749 : i32
        %sign3A_751 = arith.extui %sign3A_750 : i1 to i32
        %sign3A_752 = arith.subi %sign3A_748, %sign3A_751 : i32
        %ne3A_753 = arith.cmpi ne, %sign3A_745, %sign3A_752 : i32
        %rem3A_754 = arith.remsi %select_n3A_734, %jit3A_737 : i32
        %ne3A_755 = arith.constant 0 : i32
        %ne3A_756 = arith.cmpi ne, %rem3A_754, %ne3A_755 : i32
        %and3A_757 = arith.andi %ne3A_753, %ne3A_756 : i1
        %sub3A_758 = arith.constant 1 : i32
        %sub3A_759 = arith.subi %div3A_738, %sub3A_758 : i32
        %select_n3A_760 = arith.select %and3A_757, %sub3A_759, %div3A_738 : i32
        %add3A_761 = arith.addi %mul3A_736, %select_n3A_760 : i32
        %mul3A_762 = arith.constant 8 : i32
        %mul3A_763 = arith.muli %add3A_761, %mul3A_762 : i32
        %jit3A_764 = arith.constant 2 : i32
        %eq3A_765 = arith.constant 0 : i32
        %eq3A_766 = arith.cmpi eq, %jit3A_764, %eq3A_765 : i32
        %jit3A_767 = arith.constant 1 : i32
        %select_n3A_768 = arith.select %eq3A_766, %jit3A_767, %jit3A_764 : i32
        %rem3A_769 = arith.remsi %select_n3A_734, %select_n3A_768 : i32
        %ne3A_770 = arith.constant 0 : i32
        %ne3A_771 = arith.cmpi ne, %rem3A_769, %ne3A_770 : i32
        %lt3A_772 = arith.constant 0 : i32
        %lt3A_773 = arith.cmpi slt, %rem3A_769, %lt3A_772 : i32
        %lt3A_774 = arith.constant 0 : i32
        %lt3A_775 = arith.cmpi slt, %select_n3A_768, %lt3A_774 : i32
        %ne3A_776 = arith.xori %lt3A_773, %lt3A_775 : i1
        %and3A_777 = arith.andi %ne3A_776, %ne3A_771 : i1
        %add3A_778 = arith.addi %rem3A_769, %select_n3A_768 : i32
        %select_n3A_779 = arith.select %and3A_777, %add3A_778, %rem3A_769 : i32
        %mul3A_780 = arith.constant 256 : i32
        %mul3A_781 = arith.muli %select_n3A_779, %mul3A_780 : i32
        %dma_start3A_782 = arith.constant 1 : i32
        %dma_start3A_783 = arith.constant 1 : i32
        %dma_start3A_784 = arith.constant 0 : i32
        %dma_start3A_785 = arith.constant 0 : i32
        %dma_start3A_786 = arith.constant 0 : i32
        %dma_start3A_787 = tpu.memref_slice %arg4[%dma_start3A_782, %dma_start3A_784, %dma_start3A_785, %dma_start3A_786] : memref<4x10x8x256xf32, #tpu.memory_space<vmem>> -> memref<1x10x8x256xf32, #tpu.memory_space<vmem>>
        %dma_start3A_788 = tpu.memref_squeeze %dma_start3A_787 : memref<1x10x8x256xf32, #tpu.memory_space<vmem>> -> memref<10x8x256xf32, #tpu.memory_space<vmem>>
        %dma_start3A_789 = arith.constant 0 : i32
        %dma_start3A_790 = tpu.memref_slice %arg2[%select_n3A_718, %dma_start3A_789, %mul3A_763, %mul3A_781] : memref<16x10x512x512xf32, #tpu.memory_space<hbm>> -> memref<1x10x8x256xf32, #tpu.memory_space<hbm>>
        %dma_start3A_791 = tpu.memref_squeeze %dma_start3A_790 : memref<1x10x8x256xf32, #tpu.memory_space<hbm>> -> memref<10x8x256xf32, #tpu.memory_space<hbm>>
        %dma_start3A_792 = tpu.memref_slice %arg6[%dma_start3A_783] : memref<4x!tpu.dma_semaphore, #tpu.memory_space<semaphore_mem>> -> memref<1x!tpu.dma_semaphore, #tpu.memory_space<semaphore_mem>>
        %dma_start3A_793 = tpu.memref_squeeze %dma_start3A_792 : memref<1x!tpu.dma_semaphore, #tpu.memory_space<semaphore_mem>> -> memref<!tpu.dma_semaphore, #tpu.memory_space<semaphore_mem>>
        %dma_start3A_794 = arith.constant 0 : i32
        %dma_start3A_795 = arith.constant 0 : i32
        %dma_start3A_796 = arith.constant 0 : i32
        %dma_start3A_797 = tpu.memref_slice %arg4[%dma_start3A_782, %dma_start3A_794, %dma_start3A_795, %dma_start3A_796] : memref<4x10x8x256xf32, #tpu.memory_space<vmem>> -> memref<1x10x8x256xf32, #tpu.memory_space<vmem>>
        %dma_start3A_798 = tpu.memref_squeeze %dma_start3A_797 : memref<1x10x8x256xf32, #tpu.memory_space<vmem>> -> memref<10x8x256xf32, #tpu.memory_space<vmem>>
        %dma_start3A_799 = arith.constant 0 : i32
        %dma_start3A_800 = tpu.memref_slice %arg2[%select_n3A_718, %dma_start3A_799, %mul3A_763, %mul3A_781] : memref<16x10x512x512xf32, #tpu.memory_space<hbm>> -> memref<1x10x8x256xf32, #tpu.memory_space<hbm>>
        %dma_start3A_801 = tpu.memref_squeeze %dma_start3A_800 : memref<1x10x8x256xf32, #tpu.memory_space<hbm>> -> memref<10x8x256xf32, #tpu.memory_space<hbm>>
        tpu.enqueue_dma source(%dma_start3A_801 : memref<10x8x256xf32, #tpu.memory_space<hbm>>) target(%dma_start3A_798 : memref<10x8x256xf32, #tpu.memory_space<vmem>>) target_semaphore(%dma_start3A_793 : memref<!tpu.dma_semaphore, #tpu.memory_space<semaphore_mem>>)
      } else {
      }
      %dma_wait3A_556 = arith.constant 0 : i32
      %dma_wait3A_557 = arith.constant 3 : i32
      %dma_wait3A_558 = arith.constant 3 : i32
      %dma_wait3A_559 = arith.constant 0 : i32
      %dma_wait3A_560 = arith.constant 0 : i32
      %dma_wait3A_561 = arith.constant 0 : i32
      %dma_wait3A_562 = tpu.memref_slice %arg4[%dma_wait3A_557, %dma_wait3A_559, %dma_wait3A_560, %dma_wait3A_561] : memref<4x10x8x256xf32, #tpu.memory_space<vmem>> -> memref<1x10x8x256xf32, #tpu.memory_space<vmem>>
      %dma_wait3A_563 = tpu.memref_squeeze %dma_wait3A_562 : memref<1x10x8x256xf32, #tpu.memory_space<vmem>> -> memref<10x8x256xf32, #tpu.memory_space<vmem>>
      %dma_wait3A_564 = arith.constant 0 : i32
      %dma_wait3A_565 = arith.constant 0 : i32
      %dma_wait3A_566 = arith.constant 0 : i32
      %dma_wait3A_567 = tpu.memref_slice %arg2[%dma_wait3A_556, %dma_wait3A_564, %dma_wait3A_565, %dma_wait3A_566] : memref<16x10x512x512xf32, #tpu.memory_space<hbm>> -> memref<1x10x8x256xf32, #tpu.memory_space<hbm>>
      %dma_wait3A_568 = tpu.memref_squeeze %dma_wait3A_567 : memref<1x10x8x256xf32, #tpu.memory_space<hbm>> -> memref<10x8x256xf32, #tpu.memory_space<hbm>>
      %dma_wait3A_569 = tpu.memref_slice %arg6[%dma_wait3A_558] : memref<4x!tpu.dma_semaphore, #tpu.memory_space<semaphore_mem>> -> memref<1x!tpu.dma_semaphore, #tpu.memory_space<semaphore_mem>>
      %dma_wait3A_570 = tpu.memref_squeeze %dma_wait3A_569 : memref<1x!tpu.dma_semaphore, #tpu.memory_space<semaphore_mem>> -> memref<!tpu.dma_semaphore, #tpu.memory_space<semaphore_mem>>
      %dma_wait3A_571 = arith.constant 0 : i32
      %dma_wait3A_572 = arith.constant 0 : i32
      %dma_wait3A_573 = arith.constant 0 : i32
      %dma_wait3A_574 = tpu.memref_slice %arg4[%dma_wait3A_557, %dma_wait3A_571, %dma_wait3A_572, %dma_wait3A_573] : memref<4x10x8x256xf32, #tpu.memory_space<vmem>> -> memref<1x10x8x256xf32, #tpu.memory_space<vmem>>
      %dma_wait3A_575 = tpu.memref_squeeze %dma_wait3A_574 : memref<1x10x8x256xf32, #tpu.memory_space<vmem>> -> memref<10x8x256xf32, #tpu.memory_space<vmem>>
      %dma_wait3A_576 = arith.constant 0 : i32
      %dma_wait3A_577 = arith.constant 0 : i32
      %dma_wait3A_578 = arith.constant 0 : i32
      %dma_wait3A_579 = tpu.memref_slice %arg2[%dma_wait3A_556, %dma_wait3A_576, %dma_wait3A_577, %dma_wait3A_578] : memref<16x10x512x512xf32, #tpu.memory_space<hbm>> -> memref<1x10x8x256xf32, #tpu.memory_space<hbm>>
      %dma_wait3A_580 = tpu.memref_squeeze %dma_wait3A_579 : memref<1x10x8x256xf32, #tpu.memory_space<hbm>> -> memref<10x8x256xf32, #tpu.memory_space<hbm>>
      tpu.wait_dma2 semaphore(%dma_wait3A_570 : memref<!tpu.dma_semaphore, #tpu.memory_space<semaphore_mem>>) src(%dma_wait3A_580 : memref<10x8x256xf32, #tpu.memory_space<hbm>>) dst(%dma_wait3A_575 : memref<10x8x256xf32, #tpu.memory_space<vmem>>)
      %ge3A_581 = arith.constant 2 : i32
      %ge3A_582 = arith.cmpi sge, %add3A_548, %ge3A_581 : i32
      %convert_element_type3A_583 = arith.extui %ge3A_582 : i1 to i32
      %cond3A_584 = arith.constant 0 : i32
      %cond3A_585 = arith.cmpi ne, %convert_element_type3A_583, %cond3A_584 : i32
      scf.if %cond3A_585 {
        %dma_wait3A_693 = arith.constant 1 : i32
        %dma_wait3A_694 = arith.constant 0 : i32
        %dma_wait3A_695 = arith.constant 1 : i32
        %dma_wait3A_696 = arith.constant 0 : i32
        %dma_wait3A_697 = arith.constant 0 : i32
        %dma_wait3A_698 = arith.constant 0 : i32
        %dma_wait3A_699 = tpu.memref_slice %arg5[%dma_wait3A_693, %dma_wait3A_696, %dma_wait3A_697, %dma_wait3A_698] : memref<2x8x8x256xf32, #tpu.memory_space<vmem>> -> memref<1x8x8x256xf32, #tpu.memory_space<vmem>>
        %dma_wait3A_700 = tpu.memref_squeeze %dma_wait3A_699 : memref<1x8x8x256xf32, #tpu.memory_space<vmem>> -> memref<8x8x256xf32, #tpu.memory_space<vmem>>
        %dma_wait3A_701 = arith.constant 0 : i32
        %dma_wait3A_702 = arith.constant 0 : i32
        %dma_wait3A_703 = arith.constant 0 : i32
        %dma_wait3A_704 = tpu.memref_slice %arg3[%dma_wait3A_694, %dma_wait3A_701, %dma_wait3A_702, %dma_wait3A_703] : memref<16x8x512x512xf32, #tpu.memory_space<hbm>> -> memref<1x8x8x256xf32, #tpu.memory_space<hbm>>
        %dma_wait3A_705 = tpu.memref_squeeze %dma_wait3A_704 : memref<1x8x8x256xf32, #tpu.memory_space<hbm>> -> memref<8x8x256xf32, #tpu.memory_space<hbm>>
        %dma_wait3A_706 = tpu.memref_slice %arg7[%dma_wait3A_695] : memref<2x!tpu.dma_semaphore, #tpu.memory_space<semaphore_mem>> -> memref<1x!tpu.dma_semaphore, #tpu.memory_space<semaphore_mem>>
        %dma_wait3A_707 = tpu.memref_squeeze %dma_wait3A_706 : memref<1x!tpu.dma_semaphore, #tpu.memory_space<semaphore_mem>> -> memref<!tpu.dma_semaphore, #tpu.memory_space<semaphore_mem>>
        %dma_wait3A_708 = arith.constant 0 : i32
        %dma_wait3A_709 = arith.constant 0 : i32
        %dma_wait3A_710 = arith.constant 0 : i32
        %dma_wait3A_711 = tpu.memref_slice %arg3[%dma_wait3A_694, %dma_wait3A_708, %dma_wait3A_709, %dma_wait3A_710] : memref<16x8x512x512xf32, #tpu.memory_space<hbm>> -> memref<1x8x8x256xf32, #tpu.memory_space<hbm>>
        %dma_wait3A_712 = tpu.memref_squeeze %dma_wait3A_711 : memref<1x8x8x256xf32, #tpu.memory_space<hbm>> -> memref<8x8x256xf32, #tpu.memory_space<hbm>>
        %dma_wait3A_713 = arith.constant 0 : i32
        %dma_wait3A_714 = arith.constant 0 : i32
        %dma_wait3A_715 = arith.constant 0 : i32
        %dma_wait3A_716 = tpu.memref_slice %arg5[%dma_wait3A_693, %dma_wait3A_713, %dma_wait3A_714, %dma_wait3A_715] : memref<2x8x8x256xf32, #tpu.memory_space<vmem>> -> memref<1x8x8x256xf32, #tpu.memory_space<vmem>>
        %dma_wait3A_717 = tpu.memref_squeeze %dma_wait3A_716 : memref<1x8x8x256xf32, #tpu.memory_space<vmem>> -> memref<8x8x256xf32, #tpu.memory_space<vmem>>
        tpu.wait_dma2 semaphore(%dma_wait3A_707 : memref<!tpu.dma_semaphore, #tpu.memory_space<semaphore_mem>>) src(%dma_wait3A_717 : memref<8x8x256xf32, #tpu.memory_space<vmem>>) dst(%dma_wait3A_712 : memref<8x8x256xf32, #tpu.memory_space<hbm>>)
      } else {
      }
      %jit3A_586 = arith.constant 4 : i32
      %div3A_587 = arith.divsi %add3A_548, %jit3A_586 : i32
      %sign3A_588 = arith.constant 0 : i32
      %sign3A_589 = arith.cmpi sgt, %add3A_548, %sign3A_588 : i32
      %sign3A_590 = arith.extui %sign3A_589 : i1 to i32
      %sign3A_591 = arith.constant 0 : i32
      %sign3A_592 = arith.cmpi slt, %add3A_548, %sign3A_591 : i32
      %sign3A_593 = arith.extui %sign3A_592 : i1 to i32
      %sign3A_594 = arith.subi %sign3A_590, %sign3A_593 : i32
      %sign3A_595 = arith.constant 0 : i32
      %sign3A_596 = arith.cmpi sgt, %jit3A_586, %sign3A_595 : i32
      %sign3A_597 = arith.extui %sign3A_596 : i1 to i32
      %sign3A_598 = arith.constant 0 : i32
      %sign3A_599 = arith.cmpi slt, %jit3A_586, %sign3A_598 : i32
      %sign3A_600 = arith.extui %sign3A_599 : i1 to i32
      %sign3A_601 = arith.subi %sign3A_597, %sign3A_600 : i32
      %ne3A_602 = arith.cmpi ne, %sign3A_594, %sign3A_601 : i32
      %rem3A_603 = arith.remsi %add3A_548, %jit3A_586 : i32
      %ne3A_604 = arith.constant 0 : i32
      %ne3A_605 = arith.cmpi ne, %rem3A_603, %ne3A_604 : i32
      %and3A_606 = arith.andi %ne3A_602, %ne3A_605 : i1
      %sub3A_607 = arith.constant 1 : i32
      %sub3A_608 = arith.subi %div3A_587, %sub3A_607 : i32
      %select_n3A_609 = arith.select %and3A_606, %sub3A_608, %div3A_587 : i32
      %jit3A_610 = arith.constant 4 : i32
      %eq3A_611 = arith.constant 0 : i32
      %eq3A_612 = arith.cmpi eq, %jit3A_610, %eq3A_611 : i32
      %jit3A_613 = arith.constant 1 : i32
      %select_n3A_614 = arith.select %eq3A_612, %jit3A_613, %jit3A_610 : i32
      %rem3A_615 = arith.remsi %add3A_548, %select_n3A_614 : i32
      %ne3A_616 = arith.constant 0 : i32
      %ne3A_617 = arith.cmpi ne, %rem3A_615, %ne3A_616 : i32
      %lt3A_618 = arith.constant 0 : i32
      %lt3A_619 = arith.cmpi slt, %rem3A_615, %lt3A_618 : i32
      %lt3A_620 = arith.constant 0 : i32
      %lt3A_621 = arith.cmpi slt, %select_n3A_614, %lt3A_620 : i32
      %ne3A_622 = arith.xori %lt3A_619, %lt3A_621 : i1
      %and3A_623 = arith.andi %ne3A_622, %ne3A_617 : i1
      %add3A_624 = arith.addi %rem3A_615, %select_n3A_614 : i32
      %select_n3A_625 = arith.select %and3A_623, %add3A_624, %rem3A_615 : i32
      %mul3A_626 = arith.constant 2 : i32
      %mul3A_627 = arith.muli %add3A, %mul3A_626 : i32
      %jit3A_628 = arith.constant 2 : i32
      %div3A_629 = arith.divsi %select_n3A_625, %jit3A_628 : i32
      %sign3A_630 = arith.constant 0 : i32
      %sign3A_631 = arith.cmpi sgt, %select_n3A_625, %sign3A_630 : i32
      %sign3A_632 = arith.extui %sign3A_631 : i1 to i32
      %sign3A_633 = arith.constant 0 : i32
      %sign3A_634 = arith.cmpi slt, %select_n3A_625, %sign3A_633 : i32
      %sign3A_635 = arith.extui %sign3A_634 : i1 to i32
      %sign3A_636 = arith.subi %sign3A_632, %sign3A_635 : i32
      %sign3A_637 = arith.constant 0 : i32
      %sign3A_638 = arith.cmpi sgt, %jit3A_628, %sign3A_637 : i32
      %sign3A_639 = arith.extui %sign3A_638 : i1 to i32
      %sign3A_640 = arith.constant 0 : i32
      %sign3A_641 = arith.cmpi slt, %jit3A_628, %sign3A_640 : i32
      %sign3A_642 = arith.extui %sign3A_641 : i1 to i32
      %sign3A_643 = arith.subi %sign3A_639, %sign3A_642 : i32
      %ne3A_644 = arith.cmpi ne, %sign3A_636, %sign3A_643 : i32
      %rem3A_645 = arith.remsi %select_n3A_625, %jit3A_628 : i32
      %ne3A_646 = arith.constant 0 : i32
      %ne3A_647 = arith.cmpi ne, %rem3A_645, %ne3A_646 : i32
      %and3A_648 = arith.andi %ne3A_644, %ne3A_647 : i1
      %sub3A_649 = arith.constant 1 : i32
      %sub3A_650 = arith.subi %div3A_629, %sub3A_649 : i32
      %select_n3A_651 = arith.select %and3A_648, %sub3A_650, %div3A_629 : i32
      %add3A_652 = arith.addi %mul3A_627, %select_n3A_651 : i32
      %mul3A_653 = arith.constant 8 : i32
      %mul3A_654 = arith.muli %add3A_652, %mul3A_653 : i32
      %jit3A_655 = arith.constant 2 : i32
      %eq3A_656 = arith.constant 0 : i32
      %eq3A_657 = arith.cmpi eq, %jit3A_655, %eq3A_656 : i32
      %jit3A_658 = arith.constant 1 : i32
      %select_n3A_659 = arith.select %eq3A_657, %jit3A_658, %jit3A_655 : i32
      %rem3A_660 = arith.remsi %select_n3A_625, %select_n3A_659 : i32
      %ne3A_661 = arith.constant 0 : i32
      %ne3A_662 = arith.cmpi ne, %rem3A_660, %ne3A_661 : i32
      %lt3A_663 = arith.constant 0 : i32
      %lt3A_664 = arith.cmpi slt, %rem3A_660, %lt3A_663 : i32
      %lt3A_665 = arith.constant 0 : i32
      %lt3A_666 = arith.cmpi slt, %select_n3A_659, %lt3A_665 : i32
      %ne3A_667 = arith.xori %lt3A_664, %lt3A_666 : i1
      %and3A_668 = arith.andi %ne3A_667, %ne3A_662 : i1
      %add3A_669 = arith.addi %rem3A_660, %select_n3A_659 : i32
      %select_n3A_670 = arith.select %and3A_668, %add3A_669, %rem3A_660 : i32
      %mul3A_671 = arith.constant 256 : i32
      %mul3A_672 = arith.muli %select_n3A_670, %mul3A_671 : i32
      %dma_start3A_673 = arith.constant 1 : i32
      %dma_start3A_674 = arith.constant 1 : i32
      %dma_start3A_675 = arith.constant 0 : i32
      %dma_start3A_676 = arith.constant 0 : i32
      %dma_start3A_677 = arith.constant 0 : i32
      %dma_start3A_678 = tpu.memref_slice %arg5[%dma_start3A_673, %dma_start3A_675, %dma_start3A_676, %dma_start3A_677] : memref<2x8x8x256xf32, #tpu.memory_space<vmem>> -> memref<1x8x8x256xf32, #tpu.memory_space<vmem>>
      %dma_start3A_679 = tpu.memref_squeeze %dma_start3A_678 : memref<1x8x8x256xf32, #tpu.memory_space<vmem>> -> memref<8x8x256xf32, #tpu.memory_space<vmem>>
      %dma_start3A_680 = arith.constant 0 : i32
      %dma_start3A_681 = tpu.memref_slice %arg3[%select_n3A_609, %dma_start3A_680, %mul3A_654, %mul3A_672] : memref<16x8x512x512xf32, #tpu.memory_space<hbm>> -> memref<1x8x8x256xf32, #tpu.memory_space<hbm>>
      %dma_start3A_682 = tpu.memref_squeeze %dma_start3A_681 : memref<1x8x8x256xf32, #tpu.memory_space<hbm>> -> memref<8x8x256xf32, #tpu.memory_space<hbm>>
      %dma_start3A_683 = tpu.memref_slice %arg7[%dma_start3A_674] : memref<2x!tpu.dma_semaphore, #tpu.memory_space<semaphore_mem>> -> memref<1x!tpu.dma_semaphore, #tpu.memory_space<semaphore_mem>>
      %dma_start3A_684 = tpu.memref_squeeze %dma_start3A_683 : memref<1x!tpu.dma_semaphore, #tpu.memory_space<semaphore_mem>> -> memref<!tpu.dma_semaphore, #tpu.memory_space<semaphore_mem>>
      %dma_start3A_685 = arith.constant 0 : i32
      %dma_start3A_686 = tpu.memref_slice %arg3[%select_n3A_609, %dma_start3A_685, %mul3A_654, %mul3A_672] : memref<16x8x512x512xf32, #tpu.memory_space<hbm>> -> memref<1x8x8x256xf32, #tpu.memory_space<hbm>>
      %dma_start3A_687 = tpu.memref_squeeze %dma_start3A_686 : memref<1x8x8x256xf32, #tpu.memory_space<hbm>> -> memref<8x8x256xf32, #tpu.memory_space<hbm>>
      %dma_start3A_688 = arith.constant 0 : i32
      %dma_start3A_689 = arith.constant 0 : i32
      %dma_start3A_690 = arith.constant 0 : i32
      %dma_start3A_691 = tpu.memref_slice %arg5[%dma_start3A_673, %dma_start3A_688, %dma_start3A_689, %dma_start3A_690] : memref<2x8x8x256xf32, #tpu.memory_space<vmem>> -> memref<1x8x8x256xf32, #tpu.memory_space<vmem>>
      %dma_start3A_692 = tpu.memref_squeeze %dma_start3A_691 : memref<1x8x8x256xf32, #tpu.memory_space<vmem>> -> memref<8x8x256xf32, #tpu.memory_space<vmem>>
      tpu.enqueue_dma source(%dma_start3A_692 : memref<8x8x256xf32, #tpu.memory_space<vmem>>) target(%dma_start3A_687 : memref<8x8x256xf32, #tpu.memory_space<hbm>>) target_semaphore(%dma_start3A_684 : memref<!tpu.dma_semaphore, #tpu.memory_space<semaphore_mem>>)
    }
    %scan3A_63 = arith.constant 16 : i32
    %dma_wait3A = arith.constant 0 : i32
    %dma_wait3A_64 = arith.constant 0 : i32
    %dma_wait3A_65 = arith.constant 0 : i32
    %dma_wait3A_66 = arith.constant 0 : i32
    %dma_wait3A_67 = arith.constant 0 : i32
    %dma_wait3A_68 = arith.constant 0 : i32
    %dma_wait3A_69 = tpu.memref_slice %arg5[%dma_wait3A, %dma_wait3A_66, %dma_wait3A_67, %dma_wait3A_68] : memref<2x8x8x256xf32, #tpu.memory_space<vmem>> -> memref<1x8x8x256xf32, #tpu.memory_space<vmem>>
    %dma_wait3A_70 = tpu.memref_squeeze %dma_wait3A_69 : memref<1x8x8x256xf32, #tpu.memory_space<vmem>> -> memref<8x8x256xf32, #tpu.memory_space<vmem>>
    %dma_wait3A_71 = arith.constant 0 : i32
    %dma_wait3A_72 = arith.constant 0 : i32
    %dma_wait3A_73 = arith.constant 0 : i32
    %dma_wait3A_74 = tpu.memref_slice %arg3[%dma_wait3A_64, %dma_wait3A_71, %dma_wait3A_72, %dma_wait3A_73] : memref<16x8x512x512xf32, #tpu.memory_space<hbm>> -> memref<1x8x8x256xf32, #tpu.memory_space<hbm>>
    %dma_wait3A_75 = tpu.memref_squeeze %dma_wait3A_74 : memref<1x8x8x256xf32, #tpu.memory_space<hbm>> -> memref<8x8x256xf32, #tpu.memory_space<hbm>>
    %dma_wait3A_76 = tpu.memref_slice %arg7[%dma_wait3A_65] : memref<2x!tpu.dma_semaphore, #tpu.memory_space<semaphore_mem>> -> memref<1x!tpu.dma_semaphore, #tpu.memory_space<semaphore_mem>>
    %dma_wait3A_77 = tpu.memref_squeeze %dma_wait3A_76 : memref<1x!tpu.dma_semaphore, #tpu.memory_space<semaphore_mem>> -> memref<!tpu.dma_semaphore, #tpu.memory_space<semaphore_mem>>
    %dma_wait3A_78 = arith.constant 0 : i32
    %dma_wait3A_79 = arith.constant 0 : i32
    %dma_wait3A_80 = arith.constant 0 : i32
    %dma_wait3A_81 = tpu.memref_slice %arg3[%dma_wait3A_64, %dma_wait3A_78, %dma_wait3A_79, %dma_wait3A_80] : memref<16x8x512x512xf32, #tpu.memory_space<hbm>> -> memref<1x8x8x256xf32, #tpu.memory_space<hbm>>
    %dma_wait3A_82 = tpu.memref_squeeze %dma_wait3A_81 : memref<1x8x8x256xf32, #tpu.memory_space<hbm>> -> memref<8x8x256xf32, #tpu.memory_space<hbm>>
    %dma_wait3A_83 = arith.constant 0 : i32
    %dma_wait3A_84 = arith.constant 0 : i32
    %dma_wait3A_85 = arith.constant 0 : i32
    %dma_wait3A_86 = tpu.memref_slice %arg5[%dma_wait3A, %dma_wait3A_83, %dma_wait3A_84, %dma_wait3A_85] : memref<2x8x8x256xf32, #tpu.memory_space<vmem>> -> memref<1x8x8x256xf32, #tpu.memory_space<vmem>>
    %dma_wait3A_87 = tpu.memref_squeeze %dma_wait3A_86 : memref<1x8x8x256xf32, #tpu.memory_space<vmem>> -> memref<8x8x256xf32, #tpu.memory_space<vmem>>
    tpu.wait_dma2 semaphore(%dma_wait3A_77 : memref<!tpu.dma_semaphore, #tpu.memory_space<semaphore_mem>>) src(%dma_wait3A_87 : memref<8x8x256xf32, #tpu.memory_space<vmem>>) dst(%dma_wait3A_82 : memref<8x8x256xf32, #tpu.memory_space<hbm>>)
    %dma_wait3A_88 = arith.constant 1 : i32
    %dma_wait3A_89 = arith.constant 0 : i32
    %dma_wait3A_90 = arith.constant 1 : i32
    %dma_wait3A_91 = arith.constant 0 : i32
    %dma_wait3A_92 = arith.constant 0 : i32
    %dma_wait3A_93 = arith.constant 0 : i32
    %dma_wait3A_94 = tpu.memref_slice %arg5[%dma_wait3A_88, %dma_wait3A_91, %dma_wait3A_92, %dma_wait3A_93] : memref<2x8x8x256xf32, #tpu.memory_space<vmem>> -> memref<1x8x8x256xf32, #tpu.memory_space<vmem>>
    %dma_wait3A_95 = tpu.memref_squeeze %dma_wait3A_94 : memref<1x8x8x256xf32, #tpu.memory_space<vmem>> -> memref<8x8x256xf32, #tpu.memory_space<vmem>>
    %dma_wait3A_96 = arith.constant 0 : i32
    %dma_wait3A_97 = arith.constant 0 : i32
    %dma_wait3A_98 = arith.constant 0 : i32
    %dma_wait3A_99 = tpu.memref_slice %arg3[%dma_wait3A_89, %dma_wait3A_96, %dma_wait3A_97, %dma_wait3A_98] : memref<16x8x512x512xf32, #tpu.memory_space<hbm>> -> memref<1x8x8x256xf32, #tpu.memory_space<hbm>>
    %dma_wait3A_100 = tpu.memref_squeeze %dma_wait3A_99 : memref<1x8x8x256xf32, #tpu.memory_space<hbm>> -> memref<8x8x256xf32, #tpu.memory_space<hbm>>
    %dma_wait3A_101 = tpu.memref_slice %arg7[%dma_wait3A_90] : memref<2x!tpu.dma_semaphore, #tpu.memory_space<semaphore_mem>> -> memref<1x!tpu.dma_semaphore, #tpu.memory_space<semaphore_mem>>
    %dma_wait3A_102 = tpu.memref_squeeze %dma_wait3A_101 : memref<1x!tpu.dma_semaphore, #tpu.memory_space<semaphore_mem>> -> memref<!tpu.dma_semaphore, #tpu.memory_space<semaphore_mem>>
    %dma_wait3A_103 = arith.constant 0 : i32
    %dma_wait3A_104 = arith.constant 0 : i32
    %dma_wait3A_105 = arith.constant 0 : i32
    %dma_wait3A_106 = tpu.memref_slice %arg3[%dma_wait3A_89, %dma_wait3A_103, %dma_wait3A_104, %dma_wait3A_105] : memref<16x8x512x512xf32, #tpu.memory_space<hbm>> -> memref<1x8x8x256xf32, #tpu.memory_space<hbm>>
    %dma_wait3A_107 = tpu.memref_squeeze %dma_wait3A_106 : memref<1x8x8x256xf32, #tpu.memory_space<hbm>> -> memref<8x8x256xf32, #tpu.memory_space<hbm>>
    %dma_wait3A_108 = arith.constant 0 : i32
    %dma_wait3A_109 = arith.constant 0 : i32
    %dma_wait3A_110 = arith.constant 0 : i32
    %dma_wait3A_111 = tpu.memref_slice %arg5[%dma_wait3A_88, %dma_wait3A_108, %dma_wait3A_109, %dma_wait3A_110] : memref<2x8x8x256xf32, #tpu.memory_space<vmem>> -> memref<1x8x8x256xf32, #tpu.memory_space<vmem>>
    %dma_wait3A_112 = tpu.memref_squeeze %dma_wait3A_111 : memref<1x8x8x256xf32, #tpu.memory_space<vmem>> -> memref<8x8x256xf32, #tpu.memory_space<vmem>>
    tpu.wait_dma2 semaphore(%dma_wait3A_102 : memref<!tpu.dma_semaphore, #tpu.memory_space<semaphore_mem>>) src(%dma_wait3A_112 : memref<8x8x256xf32, #tpu.memory_space<vmem>>) dst(%dma_wait3A_107 : memref<8x8x256xf32, #tpu.memory_space<hbm>>)
    return
  }
}

</mosaic_0001>

<sc_bundles>
// kernel: kernel.3.cloned.1.call-start
scs
__scs_entry_jumppad:
0x0: {  	(pc) =	sbr.rel $0x88, $3  }
0x1: {  	(tag) =	ssettag $0x0;
	lr =	simm.s32 $0x1  }
0x2: {  	[smem:$0x3FA0] =	sst lr;
	_ =	strace $0xD0000000  }
0x3: {  	_ = 	snop  }
0x4: {  	_ = 	snop  }
0x5: {  	_ = 	snop  }
0x6: {  	_ = 	snop  }
0x7: {  	_ = 	snop  }
__scs_overlays_trampoline_lowered:
0x8: {  	[smem:$0x3FAF] =	sst s0  }
0x9: {  	[smem:$0x3FB0] =	sst s1  }
0xa: {  	[smem:$0x3FB1] =	sst s2  }
0xb: {  	[smem:$0x3FB2] =	sst s3  }
0xc: {  	[smem:$0x3FB3] =	sst s4  }
0xd: {  	[smem:$0x3FB4] =	sst s5  }
0xe: {  	[smem:$0x3FB5] =	sst s6  }
0xf: {  	[smem:$0x3FB6] =	sst s7  }
0x10: {  	[smem:$0x3FB7] =	sst s8  }
0x11: {  	[smem:$0x3FB8] =	sst s9;
	s0 =	simm.s32 @!p0 $0x0  }
0x12: {  	s1 =	sld [smem:$0x3F9E];
	s0 =	simm.s32 @p0 $0x1  }
0x13: {  	[smem:$0x3FB9] =	sst s0;
	s0 =	simm.s32 @!p1 $0x0  }
0x14: {  	s2 =	sld [smem:$0x3F9D];
	s0 =	simm.s32 @p1 $0x1  }
0x15: {  	[smem:$0x3FBA] =	sst s0;
	s0 =	simm.s32 @!p2 $0x0  }
0x16: {  	s3 =	sld [smem:$0x3FDB];
	s0 =	simm.s32 @p2 $0x1  }
0x17: {  	s4 =	simm.s32 $0x1BF5;
	[smem:$0x3FBC] =	sst s0  }
0x18: {  	s0 =	sld [smem:$0x3F9F];
	_ =	swait.ge [sflag:s4], $0x0  }
0x19: {  	s7 =	sld [smem:$0x3FA0]  }
0x1a: {  	s8 =	sadd.s32 $0xFFFFE003, lr  }
0x1b: {  	s9 =	sadd.s32 $0xFFFFFEF7, lr;
	s5 =	simm.s32 $0xFFFFFFFF;
	p2 =	slt.u32 s8, $0xFFFFF086  }
0x1c: {  	p1 =	slt.u32 s9, $0xF7A;
	s5 =	simm.s32 @!p2 $0x0  }
0x1d: {  	s5 =	simm.s32 @p1 $0x1;
	p0 =	seq.s32 s7, s2  }
0x1e: {  	s7 =	smul.u32 @!p0 $0xF7A, s2;
	p2 =	seq.s32 @!p0 s5, $0x0  }
0x1f: {  	s9 =	smul.u32 $0xF7A, s1;
	s8 =	simm.s32 @!p0 $0x1BF5;
	p2 =	por !p2, p0  }
0x20: {  	[sflag:s8] =	ssyncset.s32 @!p0 $0xFFFFF086;
	s6 =	sadd.s32 @!p0 s3, s7;
	s7 =	simm.s32 @!p0 $0x108  }
0x21: {  	s3 =	sadd.s32 s3, s9;
	s6 =	sadd.s32 @!p0 $0x88, s6;
	s7 =	simm.s32 @p2 $0x1082  }
0x22: {  	[simem:s7], [sflag:s8] =	dma.local @!p0 [hbm:s6], $0xF7A  }
0x23: {  	s9 =	sor.u32 $0xD0000000, s2;
	s6 =	simm.s32 $0x108;
	_ =	swait.ge @!p0 [sflag:s8], $0x0  }
0x24: {  	s3 =	sadd.s32 $0x88, s3;
	s6 =	simm.s32 @!p1 $0x1082;
	[sflag:s4] =	ssyncset.s32 $0xFFFFF086  }
0x25: {  	[simem:s6], [sflag:s4] =	dma.local [hbm:s3], $0xF7A  }
0x26: {  	[smem:$0x3FA0] =	sst s1;
	(tag) =	ssettag s2;
	_ =	strace s9  }
0x27: {  	s1 =	sld [smem:$0x3FB0]  }
0x28: {  	s2 =	sld [smem:$0x3FB1]  }
0x29: {  	s4 =	sld [smem:$0x3FB3]  }
0x2a: {  	p0 =	seq.s32 s5, $0x0;
	s5 =	sld [smem:$0x3FB4]  }
0x2b: {  	s6 =	sld [smem:$0x3FB5]  }
0x2c: {  	s7 =	sld [smem:$0x3FB6]  }
0x2d: {  	s3 =	simm.s32 $0x108;
	s8 =	sld [smem:$0x3FB7]  }
0x2e: {  	s3 =	simm.s32 @!p0 $0x1082;
	s9 =	sld [smem:$0x3FB8]  }
0x2f: {  	lr =	sadd.s32 s0, s3;
	s0 =	sld [smem:$0x3FAF]  }
0x30: {  	s3 =	sld [smem:$0x3FB2]  }
0x31: {  	[smem:$0x3FBB] =	sst s10  }
0x32: {  	s10 =	sld [smem:$0x3FB9];
	_ =	sdelay $0x3  }
0x33: {  	p0 =	seq.s32 s10, $0x1;
	s10 =	sld [smem:$0x3FBB];
	_ =	sdelay $0x3  }
0x34: {  	[smem:$0x3FBB] =	sst s10  }
0x35: {  	s10 =	sld [smem:$0x3FBA];
	_ =	sdelay $0x3  }
0x36: {  	p1 =	seq.s32 s10, $0x1;
	s10 =	sld [smem:$0x3FBB];
	_ =	sdelay $0x3  }
0x37: {  	[smem:$0x3FBB] =	sst s10  }
0x38: {  	s10 =	sld [smem:$0x3FBC]  }
0x39: {  	_ = 	snop;
	(pc) =	sbr.ind lr, $3  }
0x3a: {  	_ = 	snop  }
0x3b: {  	_ = 	snop  }
0x3c: {  	p2 =	seq.s32 s10, $0x1;
	s10 =	sld [smem:$0x3FBB]  }
0x3d: {  	_ =	shalt  }
0x3e: {  	_ =	shalt  }
0x3f: {  	_ =	shalt  }
0x40: {  	_ =	shalt  }
0x41: {  	_ =	shalt  }
0x42: {  	_ =	shalt  }
0x43: {  	_ =	shalt  }
0x44: {  	_ =	shalt  }
0x45: {  	_ =	shalt  }
0x46: {  	_ =	shalt  }
0x47: {  	_ =	shalt  }
0x48: {  	_ =	shalt  }
0x49: {  	_ =	shalt  }
0x4a: {  	_ =	shalt  }
0x4b: {  	_ =	shalt  }
0x4c: {  	_ =	shalt  }
0x4d: {  	_ =	shalt  }
0x4e: {  	_ =	shalt  }
0x4f: {  	_ =	shalt  }
0x50: {  	_ =	shalt  }
0x51: {  	_ =	shalt  }
0x52: {  	_ =	shalt  }
0x53: {  	_ =	shalt  }
0x54: {  	_ =	shalt  }
0x55: {  	_ =	shalt  }
0x56: {  	_ =	shalt  }
0x57: {  	_ =	shalt  }
0x58: {  	_ =	shalt  }
0x59: {  	_ =	shalt  }
0x5a: {  	_ =	shalt  }
0x5b: {  	_ =	shalt  }
0x5c: {  	_ =	shalt  }
0x5d: {  	_ =	shalt  }
0x5e: {  	_ =	shalt  }
0x5f: {  	_ =	shalt  }
0x60: {  	_ =	shalt  }
0x61: {  	_ =	shalt  }
0x62: {  	_ =	shalt  }
0x63: {  	_ =	shalt  }
0x64: {  	_ =	shalt  }
0x65: {  	_ =	shalt  }
0x66: {  	_ =	shalt  }
0x67: {  	_ =	shalt  }
0x68: {  	_ =	shalt  }
0x69: {  	_ =	shalt  }
0x6a: {  	_ =	shalt  }
0x6b: {  	_ =	shalt  }
0x6c: {  	_ =	shalt  }
0x6d: {  	_ =	shalt  }
0x6e: {  	_ =	shalt  }
0x6f: {  	_ =	shalt  }
0x70: {  	_ =	shalt  }
0x71: {  	_ =	shalt  }
0x72: {  	_ =	shalt  }
0x73: {  	_ =	shalt  }
0x74: {  	_ =	shalt  }
0x75: {  	_ =	shalt  }
0x76: {  	_ =	shalt  }
0x77: {  	_ =	shalt  }
0x78: {  	_ =	shalt  }
0x79: {  	_ =	shalt  }
0x7a: {  	_ =	shalt  }
0x7b: {  	_ =	shalt  }
0x7c: {  	_ =	shalt  }
0x7d: {  	_ =	shalt  }
0x7e: {  	_ =	shalt  }
0x7f: {  	_ =	shalt  }
0x80: {  	_ =	shalt  }
0x81: {  	_ =	shalt  }
0x82: {  	_ =	shalt  }
0x83: {  	_ =	shalt  }
0x84: {  	_ =	shalt  }
0x85: {  	_ =	shalt  }
0x86: {  	_ =	shalt  }
0x87: {  	_ =	shalt  }
.Lfunc_end0:
.L_simem_size_0:
called_computation_lowered:
.L_overlay_start_0:
0x88: {  	s2 =	sld [smem:$0x3FD9]  }
0x89: {  	s3 =	sld [smem:$0x3FFE];
	_ =	sdelay $0x1  }
0x8a: {  	s1 =	srdreg.scid  }
0x8b: {  	s0 =	sand.u32 $0x1, s1  }
0x8c: {  	s18 =	sshll.u32 s0, $0xA;
	s2 =	sadd.s32 s3, s2  }
0x8d: {  	s2 =	sadd.s32 s2, s18  }
0x8e: {  	[smem:$0x3FC7] =	sst s2  }
0x8f: {  	_ = 	snop  }
0x90: {  	s2 =	sld [smem:$0x3FC9]  }
0x91: {  	s19 =	sld [smem:$0x3FD0];
	(tm) =	ssettm $0x1  }
0x92: {  	s4 =	sld [smem:$0x3FFB];
	_ =	sdelay $0x3  }
0x93: {  	_ =	strace s4  }
0x94: {  	s4 =	sld [smem:$0x3FFC];
	_ =	sdelay $0x3  }
0x95: {  	_ =	strace s4  }
0x96: {  	s4 =	sld [smem:$0x3FFD];
	_ =	sdelay $0x3  }
0x97: {  	_ =	strace s4  }
0x98: {  	_ =	strace $0x8FFFFFFF  }
0x99: {  	s20 =	sld [smem:$0x3FDB];
	_ =	sdelay $0x1  }
0x9a: {  	s5 =	simm.s32 $_scs_section_size  }
0x9b: {  	s6 =	simm.s32 $_size__tile_overlayer_lowered;
	s7 =	simm.s32 $_tile_overlayer_lowered  }
0x9c: {  	s23 =	simm.s32 $0x1BFF;
	s22 =	sshll.u32 s7, $0x1;
	s4 =	sadd.s32 s5, s20  }
0x9d: {  	s8 =	simm.s32 $0x0;
	s21 =	sshll.u32 s6, $0x1;
	s6 =	sadd.s32 s22, s4  }
0x9e: {  	[timem:s8], [sflag:s23] =	dma.local [hbm:s6], s21  }
0x9f: {  	_ =	swait.ge [sflag:s23], s21  }
0xa0: {  	s5 =	ssub.s32 $0x0, s21;
	[sflag:s23] =	ssyncset.done $0x0  }
0xa1: {  	[sflag:s23] =	ssyncadd.s32 s5;
	_ =	sdelay $0x1  }
0xa2: {  	s24 =	simm.s32 $0x1B8B  }
0xa3: {  	_ =	swait.ge [sflag:s24], $0x1  }
0xa4: {  	[sflag:s24] =	ssyncset.done $0x0  }
0xa5: {  	s25 =	simm.s32 $0x1B8E;
	[sflag:s24] =	ssyncadd.s32 $0xFFFFFFFF  }
0xa6: {  	s26 =	simm.s32 $execute0_lowered;
	[smem:$0x3FD2] =	sst s25  }
0xa7: {  	s5 =	sshll.u32 s26, $0x1;
	_ =	strace $0x80000046;
	[dreg:$0x1] =	wrdreg $0xFFFFFFFF  }
0xa8: {  	s28 =	simm.s32 $_size_execute0_lowered;
	s4 =	sadd.s32 s4, s5;
	[dreg:$0x0] =	wrdreg $0x0  }
0xa9: {  	s5 =	sshll.u32 s28, $0x1;
	[dreg:$0x2] =	wrdreg s4  }
0xaa: {  	[dreg:$0x3] =	wrdreg s5  }
0xab: {  	[dreg:$0x4] =	wrdreg $0xC0  }
0xac: {  	_ =	task [dreg:s8], $0x5FFFF  }
0xad: {  	[dreg:$0x1] =	wrdreg $0xFFFFFFFF  }
0xae: {  	[dreg:$0x0] =	wrdreg $0x60  }
0xaf: {  	[dreg:$0x2] =	wrdreg s2  }
0xb0: {  	[dreg:$0x3] =	wrdreg s19  }
0xb1: {  	[dreg:$0x4] =	wrdreg $0x9  }
0xb2: {  	_ =	task.clear_ibuf [dreg:s8], $0x5FFFF;
	_ =	strace $0x90000046  }
0xb3: {  	s29 =	simm.s32 $0x9;
	_ =	strace $0x80000048  }
0xb4: {  	_ =	swait.ge [sflag:s29], $0x1  }
0xb5: {  	[sflag:s29] =	ssyncadd.s32 $0xFFFFFFFF  }
0xb6: {  	_ =	strace $0x90000048  }
0xb7: {  	_ =	sfence  }
0xb8: {  	s30 =	sld [smem:$0x0];
	_ =	sdelay $0x2  }
0xb9: {  	s31 =	sshll.u32 s1, $0xD;
	s1 =	sshrl.u32 s1, $0x2  }
0xba: {  	s3 =	sand.u32 $0x4000, s31;
	s1 =	sadd.s32 s1, s30  }
0xbb: {  	s0 =	sor.u32 s3, s0;
	s1 =	sshll.u32 s1, $0x11  }
0xbc: {  	s0 =	sor.u32 s1, s0  }
0xbd: {  	s0 =	sadd.s32 $0x8F2B, s0  }
0xbe: {  	[sflag:s0] =	ssyncadd.remote.s32 $0x1  }
0xbf: {  	_ =	sfence.sel $0xFFFF  }
0xc0: {  	[dreg:$0x0] =	wrdreg $0xFFFFFFFF;
	(pc) =	sbr.abs _section_cstart, $3  }
0xc1: {  	[dreg:$0x1] =	wrdreg $0xFFFFFFFF  }
0xc2: {  	_ =	task.clear_ibuf [dreg:s8], $0x2FFFF;
	_ =	strace $0x9FFFFFFF  }
0xc3: {  	(tm) =	ssettm $0x7FFFFFFF  }
tec
execute0_lowered:
.L_overlay_start_1:
0x0: {  	(tag) =	ssettag $0x1  }
0x1: {  	s1 =	rddreg [dreg:$0x0]  }
0x2: {  	s0 =	srdreg.scid;
	s8 =	rddreg [dreg:$0x1]  }
0x3: {  	s25 =	simm.s32 $0x0;
	s26 =	stileid.u32;
	s14 =	simm.s32 $0xA000  }
0x4: {  	s13 =	simm.s32 $0x5000;
	s15 =	simm.s32 $0x14000;
	s16 =	simm.s32 $0xF000  }
0x5: {  	s17 =	simm.s32 $0x2;
	s18 =	simm.s32 $0x18000;
	s19 =	simm.s32 $0x3  }
0x6: {  	s20 =	simm.s32 $0x5;
	s21 =	simm.s32 $0x4;
	s22 =	simm.s32 $0x6  }
0x7: {  	s23 =	simm.s32 $0x0;
	s4 =	sand.u32 $0x1, s0;
	[smem:$0x7FF] =	sst s25  }
0x8: {  	s9 =	sshll.u32 s26, $0xB;
	s28 =	sshll.u32 s26, $0xE;
	s5 =	ssub.s32 $0x2, s4  }
0x9: {  	_ =	strace $0x80000047;
	s10 =	sshll.u32 s4, $0xA;
	s29 =	sshll.u32 s4, $0xD  }
0xa: {  	s4 =	sadd.s32 $0x100, s1;
	s8 =	sadd.s32 s9, s8;
	[dreg:$0x3] =	wrdreg s14  }
0xb: {  	s14 =	simm.s32 $0x1;
	s6 =	sshrl.u32 s5, $0x1;
	s11 =	sor.u32 s10, s9  }
0xc: {  	s12 =	sor.u32 s29, s28;
	s8 =	sadd.s32 s10, s8;
	s7 =	ssub.s32 s5, s6  }
0xd: {  	s5 =	sadd.s32 s1, s11;
	s6 =	sadd.s32 s11, s4;
	s30 =	sshrl.u32 s12, $0x3  }
0xe: {  	s10 =	sor.u32 $0x280000, s12;
	s11 =	simm.s32 $0x800;
	s31 =	sadd.s32 s30, s1  }
0xf: {  	s12 =	simm.s32 $0x40000;
	s7 =	smax.u32 s7, $0x1;
	s9 =	sadd.s32 $0x200, s31  }
.LBB2_1:
0x10: {  	s0 =	simm.s32 $0x0  }
0x11: {  	[tilespmem:s0], [sflag:$0x1] =	stream.strided.gather [hbm4b:s5+s11], $0x5000, s12, s11, $0x38;
	[tilespmem:$0x1C000] =	vst v63  }
0x12: {  	_ = 	snop  }
0x13: {  	[tilespmem:s13], [sflag:$0x2] =	stream.strided.gather [hbm4b:s6+s11], $0x5000, s12, s11, $0x38;
	[tilespmem:$0x1C000] =	vst v63  }
0x14: {  	s24 =	rddreg [dreg:$0x3]  }
0x15: {  	[tilespmem:s24], [sflag:$0x3] =	stream.strided.gather [hbm4b:s9+s11], $0x5000, s12, s11, $0x38;
	[tilespmem:$0x1C000] =	vst v63  }
0x16: {  	_ =	swait.ge [sflag:s14], $0x5000  }
0x17: {  	p0 =	por $0x1, $0x1;
	[sflag:s14] =	ssyncset.done $0x0  }
0x18: {  	s24 =	simm.s32 @!p0 $0x5;
	[sflag:s14] =	ssyncadd.s32 $0xFFFFB000  }
0x19: {  	_ =	swait.ge @!p0 [sflag:s24], $0x4000  }
0x1a: {  	[sflag:s24] =	ssyncset.done @!p0 $0x0  }
0x1b: {  	s28 =	sadd.s32 $0x0, s8;
	[sflag:s24] =	ssyncadd.s32 @!p0 $0xFFFFC000  }
0x1c: {  	[hbm4b:s28+s11] =	stream.strided.scatter [tilespmem:s15], [sflag:$0x5], $0x4000, s12, s11, $0x38;
	[tilespmem:$0x1C000] =	vst v63  }
0x1d: {  	s26 =	sadd.s32 $0x100, s9  }
0x1e: {  	[tilespmem:s16], [sflag:$0x4] =	stream.strided.gather [hbm4b:s26+s11], $0x5000, s12, s11, $0x38;
	[tilespmem:$0x1C000] =	vst v63  }
0x1f: {  	_ =	swait.ge [sflag:s17], $0x5000  }
0x20: {  	[sflag:s17] =	ssyncset.done $0x0  }
0x21: {  	s24 =	simm.s32 @!p0 $0x6;
	[sflag:s17] =	ssyncadd.s32 $0xFFFFB000  }
0x22: {  	_ =	swait.ge @!p0 [sflag:s24], $0x4000  }
0x23: {  	p1 =	por $0x0, $0x0;
	s25 =	sadd.s32 $0x100, s28;
	[sflag:s24] =	ssyncset.done @!p0 $0x0  }
0x24: {  	s29 =	simm.s32 @!p1 $0x800;
	[sflag:s24] =	ssyncadd.s32 @!p0 $0xFFFFC000;
	s24 =	sshrl.u32 @!p1 s10, $0x3  }
0x25: {  	[hbm4b:s25+s11] =	stream.strided.scatter [tilespmem:s18], [sflag:$0x6], $0x4000, s12, s11, $0x38;
	[tilespmem:$0x1C000] =	vst v63  }
0x26: {  	s30 =	simm.s32 @!p1 $0x40000;
	s26 =	simm.s32 @!p1 $0x0;
	s25 =	sadd.s32 @!p1 s1, s24  }
0x27: {  	[tilespmem:s26], [sflag:$0x1] =	stream.strided.gather @!p1 [hbm4b:s25+s29], $0x5000, s30, s29, $0x38;
	[tilespmem:$0x1C000] =	vst v63  }
0x28: {  	_ =	swait.ge [sflag:s19], $0x5000  }
0x29: {  	[sflag:s19] =	ssyncset.done $0x0  }
0x2a: {  	[sflag:s19] =	ssyncadd.s32 $0xFFFFB000  }
0x2b: {  	_ =	swait.ge [sflag:s20], $0x4000  }
0x2c: {  	[sflag:s20] =	ssyncset.done $0x0  }
0x2d: {  	s31 =	sadd.s32 $0x200, s28;
	[sflag:s20] =	ssyncadd.s32 $0xFFFFC000  }
0x2e: {  	[hbm4b:s31+s11] =	stream.strided.scatter [tilespmem:s15], [sflag:$0x5], $0x4000, s12, s11, $0x38;
	[tilespmem:$0x1C000] =	vst v63  }
0x2f: {  	s24 =	sadd.s32 @!p1 s24, s4;
	s25 =	simm.s32 @!p1 $0x5000  }
0x30: {  	[tilespmem:s25], [sflag:$0x2] =	stream.strided.gather @!p1 [hbm4b:s24+s29], $0x5000, s30, s29, $0x38;
	[tilespmem:$0x1C000] =	vst v63  }
0x31: {  	_ =	swait.ge [sflag:s21], $0x5000  }
0x32: {  	[sflag:s21] =	ssyncset.done $0x0  }
0x33: {  	s26 =	simm.s32 $0x80000;
	s25 =	simm.s32 $0x40000;
	[sflag:s21] =	ssyncadd.s32 $0xFFFFB000  }
0x34: {  	s24 =	sadd.s32 $0x280000, s10;
	s29 =	sadd.s32 $0x300, s28;
	_ =	swait.ge [sflag:s22], $0x4000  }
0x35: {  	s28 =	smov.u32 s9;
	s30 =	rddreg [dreg:$0x3];
	[sflag:s22] =	ssyncset.done $0x0  }
.LBB2_2:
0x36: {  	[sflag:s22] =	ssyncadd.s32 $0xFFFFC000  }
0x37: {  	[hbm4b:s29+s11] =	stream.strided.scatter [tilespmem:s18], [sflag:$0x6], $0x4000, s12, s11, $0x38;
	[tilespmem:$0x1C000] =	vst v63  }
0x38: {  	s28 =	sadd.s32 $0x50000, s28  }
0x39: {  	[tilespmem:s30], [sflag:$0x3] =	stream.strided.gather [hbm4b:s28+s11], $0x5000, s12, s11, $0x38;
	[tilespmem:$0x1C000] =	vst v63  }
0x3a: {  	_ =	swait.ge [sflag:s14], $0x5000  }
0x3b: {  	p1 =	seq.s32 s25, $0x0;
	[sflag:s14] =	ssyncset.done $0x0  }
0x3c: {  	s30 =	simm.s32 @!p1 $0x5;
	[sflag:s14] =	ssyncadd.s32 $0xFFFFB000  }
0x3d: {  	_ =	swait.ge @!p1 [sflag:s30], $0x4000  }
0x3e: {  	[sflag:s30] =	ssyncset.done @!p1 $0x0  }
0x3f: {  	s29 =	sadd.s32 s25, s8;
	[sflag:s30] =	ssyncadd.s32 @!p1 $0xFFFFC000  }
0x40: {  	[hbm4b:s29+s11] =	stream.strided.scatter [tilespmem:s15], [sflag:$0x5], $0x4000, s12, s11, $0x38;
	[tilespmem:$0x1C000] =	vst v63  }
0x41: {  	s30 =	sadd.s32 $0x100, s28  }
0x42: {  	[tilespmem:s16], [sflag:$0x4] =	stream.strided.gather [hbm4b:s30+s11], $0x5000, s12, s11, $0x38;
	[tilespmem:$0x1C000] =	vst v63  }
0x43: {  	_ =	swait.ge [sflag:s17], $0x5000  }
0x44: {  	[sflag:s17] =	ssyncset.done $0x0  }
0x45: {  	s30 =	simm.s32 @!p1 $0x6;
	[sflag:s17] =	ssyncadd.s32 $0xFFFFB000  }
0x46: {  	p2 =	seq.s32 s25, $0x3C0000;
	_ =	swait.ge @!p1 [sflag:s30], $0x4000  }
0x47: {  	s25 =	sshrl.u32 @!p2 s24, $0x3;
	[sflag:s30] =	ssyncset.done @!p1 $0x0  }
0x48: {  	s2 =	simm.s32 @!p2 $0x800;
	s0 =	sadd.s32 $0x100, s29;
	[sflag:s30] =	ssyncadd.s32 @!p1 $0xFFFFC000  }
0x49: {  	[hbm4b:s0+s11] =	stream.strided.scatter [tilespmem:s18], [sflag:$0x6], $0x4000, s12, s11, $0x38;
	[tilespmem:$0x1C000] =	vst v63  }
0x4a: {  	s3 =	simm.s32 @!p2 $0x40000;
	s30 =	simm.s32 @!p2 $0x0;
	s0 =	sadd.s32 @!p2 s1, s25  }
0x4b: {  	[tilespmem:s30], [sflag:$0x1] =	stream.strided.gather @!p2 [hbm4b:s0+s2], $0x5000, s3, s2, $0x38;
	[tilespmem:$0x1C000] =	vst v63  }
0x4c: {  	_ =	swait.ge [sflag:s19], $0x5000  }
0x4d: {  	[sflag:s19] =	ssyncset.done $0x0  }
0x4e: {  	[sflag:s19] =	ssyncadd.s32 $0xFFFFB000  }
0x4f: {  	_ =	swait.ge [sflag:s20], $0x4000  }
0x50: {  	s31 =	smov.u32 s26;
	s26 =	sadd.s32 $0x40000, s26;
	[sflag:s20] =	ssyncset.done $0x0  }
0x51: {  	p0 =	sne.s32 s26, $0x400000;
	s30 =	sadd.s32 $0x200, s29;
	[sflag:s20] =	ssyncadd.s32 $0xFFFFC000  }
0x52: {  	[hbm4b:s30+s11] =	stream.strided.scatter [tilespmem:s15], [sflag:$0x5], $0x4000, s12, s11, $0x38;
	[tilespmem:$0x1C000] =	vst v63  }
0x53: {  	s0 =	sadd.s32 @!p2 s25, s4;
	s25 =	smov.u32 s31;
	s31 =	simm.s32 @!p2 $0x5000  }
0x54: {  	[tilespmem:s31], [sflag:$0x2] =	stream.strided.gather @!p2 [hbm4b:s0+s2], $0x5000, s3, s2, $0x38;
	[tilespmem:$0x1C000] =	vst v63  }
.Ltmp0:
0x55: {  	_ =	swait.ge [sflag:s21], $0x5000;
	(pc) =	sbr.rel @p0 .LBB2_2-.Ltmp0, $4  }
0x56: {  	[sflag:s21] =	ssyncset.done $0x0  }
0x57: {  	[sflag:s21] =	ssyncadd.s32 $0xFFFFB000  }
0x58: {  	s24 =	sadd.s32 $0x280000, s24;
	_ =	swait.ge [sflag:s22], $0x4000  }
0x59: {  	s29 =	sadd.s32 $0x300, s29;
	s30 =	rddreg [dreg:$0x3];
	[sflag:s22] =	ssyncset.done $0x0  }
0x5a: {  	[sflag:s22] =	ssyncadd.s32 $0xFFFFC000  }
0x5b: {  	[hbm4b:s29+s11] =	stream.strided.scatter [tilespmem:s18], [sflag:$0x6], $0x4000, s12, s11, $0x38;
	[tilespmem:$0x1C000] =	vst v63  }
0x5c: {  	s0 =	sadd.s32 $0x50000, s28  }
0x5d: {  	[tilespmem:s30], [sflag:$0x3] =	stream.strided.gather [hbm4b:s0+s11], $0x5000, s12, s11, $0x38;
	[tilespmem:$0x1C000] =	vst v63  }
0x5e: {  	_ =	swait.ge [sflag:s14], $0x5000  }
0x5f: {  	p0 =	seq.s32 s25, $0x0;
	[sflag:s14] =	ssyncset.done $0x0  }
0x60: {  	s2 =	simm.s32 @!p0 $0x5;
	[sflag:s14] =	ssyncadd.s32 $0xFFFFB000  }
0x61: {  	_ =	swait.ge @!p0 [sflag:s2], $0x4000  }
0x62: {  	[sflag:s2] =	ssyncset.done @!p0 $0x0  }
0x63: {  	s3 =	sadd.s32 s25, s8;
	[sflag:s2] =	ssyncadd.s32 @!p0 $0xFFFFC000  }
0x64: {  	[hbm4b:s3+s11] =	stream.strided.scatter [tilespmem:s15], [sflag:$0x5], $0x4000, s12, s11, $0x38;
	[tilespmem:$0x1C000] =	vst v63  }
0x65: {  	s0 =	sadd.s32 $0x100, s0  }
0x66: {  	[tilespmem:s16], [sflag:$0x4] =	stream.strided.gather [hbm4b:s0+s11], $0x5000, s12, s11, $0x38;
	[tilespmem:$0x1C000] =	vst v63  }
0x67: {  	_ =	swait.ge [sflag:s17], $0x5000  }
0x68: {  	[sflag:s17] =	ssyncset.done $0x0  }
0x69: {  	s0 =	simm.s32 @!p0 $0x6;
	[sflag:s17] =	ssyncadd.s32 $0xFFFFB000  }
0x6a: {  	_ =	swait.ge @!p0 [sflag:s0], $0x4000  }
0x6b: {  	p1 =	seq.s32 s25, $0x3C0000;
	s29 =	sadd.s32 $0x100, s3;
	[sflag:s0] =	ssyncset.done @!p0 $0x0  }
0x6c: {  	s25 =	simm.s32 @!p1 $0x800;
	[sflag:s0] =	ssyncadd.s32 @!p0 $0xFFFFC000;
	s0 =	sshrl.u32 @!p1 s24, $0x3  }
0x6d: {  	[hbm4b:s29+s11] =	stream.strided.scatter [tilespmem:s18], [sflag:$0x6], $0x4000, s12, s11, $0x38;
	[tilespmem:$0x1C000] =	vst v63  }
0x6e: {  	s26 =	simm.s32 @!p1 $0x40000;
	s24 =	simm.s32 @!p1 $0x0;
	s2 =	sadd.s32 @!p1 s1, s0  }
0x6f: {  	[tilespmem:s24], [sflag:$0x1] =	stream.strided.gather @!p1 [hbm4b:s2+s25], $0x5000, s26, s25, $0x38;
	[tilespmem:$0x1C000] =	vst v63  }
0x70: {  	_ =	swait.ge [sflag:s19], $0x5000  }
0x71: {  	[sflag:s19] =	ssyncset.done $0x0  }
0x72: {  	[sflag:s19] =	ssyncadd.s32 $0xFFFFB000  }
0x73: {  	_ =	swait.ge [sflag:s20], $0x4000  }
0x74: {  	[sflag:s20] =	ssyncset.done $0x0  }
0x75: {  	s30 =	sadd.s32 $0x200, s3;
	[sflag:s20] =	ssyncadd.s32 $0xFFFFC000  }
0x76: {  	[hbm4b:s30+s11] =	stream.strided.scatter [tilespmem:s15], [sflag:$0x5], $0x4000, s12, s11, $0x38;
	[tilespmem:$0x1C000] =	vst v63  }
0x77: {  	s0 =	sadd.s32 @!p1 s0, s4;
	s2 =	simm.s32 @!p1 $0x5000  }
0x78: {  	[tilespmem:s2], [sflag:$0x2] =	stream.strided.gather @!p1 [hbm4b:s0+s25], $0x5000, s26, s25, $0x38;
	[tilespmem:$0x1C000] =	vst v63  }
0x79: {  	_ =	swait.ge [sflag:s21], $0x5000  }
0x7a: {  	[sflag:s21] =	ssyncset.done $0x0  }
0x7b: {  	[sflag:s21] =	ssyncadd.s32 $0xFFFFB000  }
0x7c: {  	_ =	swait.ge [sflag:s22], $0x4000  }
0x7d: {  	[sflag:s22] =	ssyncset.done $0x0  }
0x7e: {  	s23 =	sadd.s32 $0x1, s23;
	s31 =	sadd.s32 $0x300, s3;
	[sflag:s22] =	ssyncadd.s32 $0xFFFFC000  }
0x7f: {  	[hbm4b:s31+s11] =	stream.strided.scatter [tilespmem:s18], [sflag:$0x6], $0x4000, s12, s11, $0x38;
	[tilespmem:$0x1C000] =	vst v63  }
0x80: {  	p0 =	sne.s32 s23, s7;
	_ =	swait.ge [sflag:s20], $0x4000  }
.Ltmp1:
0x81: {  	[sflag:s20] =	ssyncset.done $0x0;
	(pc) =	sbr.rel @p0 .LBB2_1-.Ltmp1, $4  }
0x82: {  	[sflag:s20] =	ssyncadd.s32 $0xFFFFC000  }
0x83: {  	_ =	swait.ge [sflag:s22], $0x4000  }
0x84: {  	[sflag:s22] =	ssyncset.done $0x0  }
0x85: {  	[sflag:s22] =	ssyncadd.s32 $0xFFFFC000  }
0x86: {  	_ =	sfence.sel $0x180000  }
0x87: {  	[bflag:$0x0] =	sbarrier.arrive $0xFFFF  }
0x88: {  	_ =	strace $0x90000047  }
0x89: {  	s0 =	stileid.u32;
	[bflag:$0x2] =	sbarrier.arrive $0xFFFF  }
0x8a: {  	p0 =	sne.s32 s0, $0x0;
	s0 =	rddreg [dreg:$0x2]  }
0x8b: {  	s0 =	sadd.s32 @!p0 $0x100000, s0  }
0x8c: {  	[sflag:s0] =	ssyncadd.tile.s32 @!p0 $0x1;
	_ =	shalt  }
.Lfunc_end2:
_tile_overlayer_lowered:
.L_overlay_start_2:
0x8d: {  	(tag) =	ssettag $0x2  }
0x8e: {  	s0 =	rddreg [dreg:$0x0];
	s2 =	stileid.u32  }
0x8f: {  	s1 =	rddreg [dreg:$0x1];
	p0 =	sne.s32 s2, $0x0  }
0x90: {  	s3 =	rddreg [dreg:$0x2];
	[bflag:$0x3] =	sbarrier.arrive $0xFFFF;
	s2 =	simm.s32 @!p0 $0x1C07  }
0x91: {  	[timem:s3], [sflag:s2] =	dma.local @!p0 [hbm:s0], s1  }
0x92: {  	s0 =	simm.s32 @!p0 $0x7  }
0x93: {  	_ =	swait.ge @!p0 [sflag:s0], s1  }
0x94: {  	s1 =	ssub.s32 @!p0 $0x0, s1;
	[sflag:s0] =	ssyncset.done @!p0 $0x0  }
0x95: {  	[sflag:s0] =	ssyncadd.s32 @!p0 s1  }
0x96: {  	[bflag:$0x3] =	sbarrier.arrive $0xFFFF  }
0x97: {  	_ =	shalt  }

</sc_bundles>
